<compile_context>
chip_gen: v7x
topology: tpu7x:2x2x1
jax: 0.10.2.dev20260603
libtpu: 0.0.44.dev20260713+nightly
codegen_flags: <defaults>
</compile_context>

<pallas_src>
import jax
import jax.numpy as jnp
from jax import lax
from jax.experimental import pallas as pl
from jax.experimental.pallas import tpu as pltpu
from jax.experimental.pallas import tpu_sc as plsc

NUM_SEG = 10000
D = 128
ROWS = 320000
NC = 2
NS = 16
NW = NC * NS
K = 80
ROWS_PER_TILE = ROWS // NW
NCH = ROWS_PER_TILE // K
WB = 624
WB_LAST = 640
ZR = 8


def _sc_scatter_body(feat_hbm, idx_hbm, out0_hbm, out1_hbm,
                     fb, ib, zbuf, acc,
                     lsem0, lsem1, lsem2, lsem3, ssem0, ssem1, zsem):
    cid = lax.axis_index("c")
    sid = lax.axis_index("s")
    w = sid * NC + cid
    lsem = (lsem0, lsem1, lsem2, lsem3)
    ssem = (ssem0, ssem1)
    start_w = w * ROWS_PER_TILE

    def loads(i, b, start):
        r0 = (i * NW + w) * K
        ops = [pltpu.make_async_copy(feat_hbm.at[pl.ds(r0, K)], fb.at[b], lsem[b]),
               pltpu.make_async_copy(idx_hbm.at[pl.ds(r0, K)], ib.at[b], lsem[b])]
        for op in ops:
            op.start() if start else op.wait()

    def scatter(b, p, start):
        op = pltpu.make_async_copy(fb.at[b], acc.at[ib.at[b]], ssem[p])
        op.start(add=True) if start else op.wait()

    loads(0, 0, True)
    loads(1, 1, True)
    loads(2, 2, True)

    def zrow(r, carry):
        def zcol(c, carry2):
            zbuf[r, pl.ds(c * 16, 16)] = jnp.zeros((16,), jnp.float32)
            return carry2
        return lax.fori_loop(0, D // 16, zcol, carry)
    lax.fori_loop(0, ZR, zrow, 0)

    lo = sid * WB
    nzero = lax.select(sid == NS - 1, WB_LAST // ZR, WB // ZR)

    def zfire(t, carry):
        pltpu.make_async_copy(zbuf, acc.at[pl.ds(lo + t * ZR, ZR)], zsem).start()
        return carry
    lax.fori_loop(0, nzero, zfire, 0)

    def zdrain(t, carry):
        pltpu.make_async_copy(zbuf, acc.at[pl.ds(lo + t * ZR, ZR)], zsem).wait()
        return carry
    lax.fori_loop(0, nzero, zdrain, 0)
    plsc.subcore_barrier()

    def step(i, b, p, drain_prev=True, issue_next=True):
        loads(i, b, False)
        if drain_prev:
            scatter((b + 3) % 4, 1 - p, False)
        scatter(b, p, True)
        if issue_next:
            loads(i + 3, (b + 3) % 4, True)

    step(0, 0, 0, drain_prev=False)
    step(1, 1, 1)
    step(2, 2, 0)
    step(3, 3, 1)

    def body(j, carry):
        base = 4 * j
        for t in range(4):
            step(base + t, t, t % 2)
        return carry
    lax.fori_loop(1, 30, body, 0)

    step(120, 0, 0)
    step(121, 1, 1)
    step(122, 2, 0, issue_next=False)
    step(123, 3, 1, issue_next=False)
    step(124, 0, 0, issue_next=False)
    scatter(0, 0, False)
    plsc.subcore_barrier()

    for c, out_hbm in ((0, out0_hbm), (1, out1_hbm)):
        @pl.when(jnp.logical_and(cid == c, sid < NS - 1))
        def _(out_hbm=out_hbm):
            pltpu.sync_copy(acc.at[pl.ds(lo, WB)], out_hbm.at[pl.ds(lo, WB)])

        @pl.when(jnp.logical_and(cid == c, sid == NS - 1))
        def _(out_hbm=out_hbm):
            pltpu.sync_copy(acc.at[pl.ds(lo, WB_LAST)],
                            out_hbm.at[pl.ds(lo, WB_LAST)])


_sc_scatter = pl.kernel(
    _sc_scatter_body,
    out_type=[jax.ShapeDtypeStruct((NUM_SEG, D), jnp.float32),
              jax.ShapeDtypeStruct((NUM_SEG, D), jnp.float32)],
    mesh=plsc.VectorSubcoreMesh(core_axis_name="c", subcore_axis_name="s"),
    scratch_types=[
        pltpu.VMEM((4, K, D), jnp.float32),
        pltpu.VMEM((4, K), jnp.int32),
        pltpu.VMEM((ZR, D), jnp.float32),
        pltpu.VMEM_SHARED((NUM_SEG, D), jnp.float32),
        pltpu.SemaphoreType.DMA,
        pltpu.SemaphoreType.DMA,
        pltpu.SemaphoreType.DMA,
        pltpu.SemaphoreType.DMA,
        pltpu.SemaphoreType.DMA,
        pltpu.SemaphoreType.DMA,
        pltpu.SemaphoreType.DMA,
    ],
)


def _combine_body(a_ref, b_ref, o_ref):
    o_ref[...] = a_ref[...] + b_ref[...]


def _tc_combine(a, b):
    blk = NUM_SEG // 5
    return pl.pallas_call(
        _combine_body,
        grid=(5,),
        in_specs=[pl.BlockSpec((blk, D), lambda i: (i, 0)),
                  pl.BlockSpec((blk, D), lambda i: (i, 0))],
        out_specs=pl.BlockSpec((blk, D), lambda i: (i, 0)),
        out_shape=jax.ShapeDtypeStruct((NUM_SEG, D), jnp.float32),
    )(a, b)


def kernel(feat, unq_inv, mode):
    del mode
    idx = unq_inv.astype(jnp.int32)
    p0, p1 = _sc_scatter(feat, idx)
    return _tc_combine(p0, p1)

# --- scband reference (transcript-rebuilt; emitter-appended) ---
"""Pipeline reference for scband-scatter-infer-6889127543370 (READ-ONLY COPY).

The authoritative reference and input builder live on the scoring server;
editing this copy changes nothing except your own understanding.
"""

import jax, jax.numpy as jnp
import numpy as np

NUM_SEGMENTS = 10000

def setup_inputs(seed: int = 0) -> dict:
    key = jax.random.key(seed)
    k1, k2 = jax.random.split(key)
    feat = jax.random.normal(k1, (320000, 128), dtype=jnp.float32)
    unq_inv = jnp.sort(jax.random.randint(k2, (320000,), 0, NUM_SEGMENTS, dtype=jnp.int64))
    mode = 3  # non-string mode falls through to 'sum' branch in the torch module
    return {"feat": feat, "unq_inv": unq_inv, "mode": mode}

def reference(feat, unq_inv, mode):
    # scatter_infer.forward: value_s is an int here (not 'max'/'mean'), so the
    # torch module takes the else-branch: scatter(..., reduce='sum').
    # torch_scatter.scatter(feat, unq_inv, dim=0, reduce='sum') ==
    #   segment_sum over dim 0 with out size = max(unq_inv)+1 (== NUM_SEGMENTS here).
    new_feat = jax.ops.segment_sum(feat, unq_inv, num_segments=NUM_SEGMENTS)
    return new_feat

if __name__ == "__main__":
    import jax
    _d = setup_inputs()
    print(jax.jit(kernel)(*tuple(_d.values())))

</pallas_src>

<mosaic_0001>
#map = affine_map<(d0, d1) -> (0, 0)>
#map1 = affine_map<(d0, d1) -> (0)>
module attributes {stable_mosaic.version = 14 : i64} {
  func.func @_sc_scatter_body(%arg0: i32, %arg1: i32, %arg2: memref<320000x128xf32, #tpu.memory_space<hbm>>, %arg3: memref<320000xi32, #tpu.memory_space<hbm>>, %arg4: memref<10000x128xf32, #tpu.memory_space<hbm>>, %arg5: memref<10000x128xf32, #tpu.memory_space<hbm>>, %arg6: memref<4x80x128xf32, #tpu.memory_space<vmem>>, %arg7: memref<4x80xi32, #tpu.memory_space<vmem>>, %arg8: memref<8x128xf32, #tpu.memory_space<vmem>>, %arg9: memref<10000x128xf32, #tpu.memory_space<vmem_shared>>, %arg10: memref<!tpu.dma_semaphore, #tpu.memory_space<semaphore_mem>>, %arg11: memref<!tpu.dma_semaphore, #tpu.memory_space<semaphore_mem>>, %arg12: memref<!tpu.dma_semaphore, #tpu.memory_space<semaphore_mem>>, %arg13: memref<!tpu.dma_semaphore, #tpu.memory_space<semaphore_mem>>, %arg14: memref<!tpu.dma_semaphore, #tpu.memory_space<semaphore_mem>>, %arg15: memref<!tpu.dma_semaphore, #tpu.memory_space<semaphore_mem>>, %arg16: memref<!tpu.dma_semaphore, #tpu.memory_space<semaphore_mem>>) attributes {dimension_semantics = [#tpu.dimension_semantics<core_parallel>, #tpu.dimension_semantics<subcore_parallel>], iteration_bounds = array<i64: 2, 16>, scalar_prefetch = 0 : i64, scratch_operands = 11 : i64, tpu.core_type = #tpu.core_type<sc_vector_subcore>, window_params = [{transform_indices = #map}, {transform_indices = #map1}, {transform_indices = #map}, {transform_indices = #map}]} {
    %mul3A = arith.constant 2 : i32
    %mul3A_0 = arith.muli %arg1, %mul3A : i32
    %add3A = arith.addi %mul3A_0, %arg0 : i32
    %mul3A_1 = arith.constant 10000 : i32
    %mul3A_2 = arith.muli %add3A, %mul3A_1 : i32
    %add3A_3 = arith.constant 0 : i32
    %add3A_4 = arith.addi %add3A_3, %add3A : i32
    %mul3A_5 = arith.constant 80 : i32
    %mul3A_6 = arith.muli %add3A_4, %mul3A_5 : i32
    %dma_start3A = arith.constant 0 : i32
    %dma_start3A_7 = arith.constant 0 : i32
    %dma_start3A_8 = arith.constant 0 : i32
    %dma_start3A_9 = tpu.memref_slice %arg6[%dma_start3A, %dma_start3A_7, %dma_start3A_8] : memref<4x80x128xf32, #tpu.memory_space<vmem>> -> memref<1x80x128xf32, #tpu.memory_space<vmem>>
    %dma_start3A_10 = tpu.memref_squeeze %dma_start3A_9 : memref<1x80x128xf32, #tpu.memory_space<vmem>> -> memref<80x128xf32, #tpu.memory_space<vmem>>
    %dma_start3A_11 = arith.constant 0 : i32
    %dma_start3A_12 = tpu.memref_slice %arg2[%mul3A_6, %dma_start3A_11] : memref<320000x128xf32, #tpu.memory_space<hbm>> -> memref<80x128xf32, #tpu.memory_space<hbm>>
    %dma_start3A_13 = arith.constant 0 : i32
    %dma_start3A_14 = arith.constant 0 : i32
    %dma_start3A_15 = tpu.memref_slice %arg6[%dma_start3A, %dma_start3A_13, %dma_start3A_14] : memref<4x80x128xf32, #tpu.memory_space<vmem>> -> memref<1x80x128xf32, #tpu.memory_space<vmem>>
    %dma_start3A_16 = tpu.memref_squeeze %dma_start3A_15 : memref<1x80x128xf32, #tpu.memory_space<vmem>> -> memref<80x128xf32, #tpu.memory_space<vmem>>
    %dma_start3A_17 = arith.constant 0 : i32
    %dma_start3A_18 = tpu.memref_slice %arg2[%mul3A_6, %dma_start3A_17] : memref<320000x128xf32, #tpu.memory_space<hbm>> -> memref<80x128xf32, #tpu.memory_space<hbm>>
    tpu.enqueue_dma source(%dma_start3A_18 : memref<80x128xf32, #tpu.memory_space<hbm>>) target(%dma_start3A_16 : memref<80x128xf32, #tpu.memory_space<vmem>>) target_semaphore(%arg10 : memref<!tpu.dma_semaphore, #tpu.memory_space<semaphore_mem>>)
    %dma_start3A_19 = arith.constant 0 : i32
    %dma_start3A_20 = arith.constant 0 : i32
    %dma_start3A_21 = tpu.memref_slice %arg7[%dma_start3A_19, %dma_start3A_20] : memref<4x80xi32, #tpu.memory_space<vmem>> -> memref<1x80xi32, #tpu.memory_space<vmem>>
    %dma_start3A_22 = tpu.memref_squeeze %dma_start3A_21 : memref<1x80xi32, #tpu.memory_space<vmem>> -> memref<80xi32, #tpu.memory_space<vmem>>
    %dma_start3A_23 = tpu.memref_slice %arg3[%mul3A_6] : memref<320000xi32, #tpu.memory_space<hbm>> -> memref<80xi32, #tpu.memory_space<hbm>>
    %dma_start3A_24 = arith.constant 0 : i32
    %dma_start3A_25 = tpu.memref_slice %arg7[%dma_start3A_19, %dma_start3A_24] : memref<4x80xi32, #tpu.memory_space<vmem>> -> memref<1x80xi32, #tpu.memory_space<vmem>>
    %dma_start3A_26 = tpu.memref_squeeze %dma_start3A_25 : memref<1x80xi32, #tpu.memory_space<vmem>> -> memref<80xi32, #tpu.memory_space<vmem>>
    %dma_start3A_27 = tpu.memref_slice %arg3[%mul3A_6] : memref<320000xi32, #tpu.memory_space<hbm>> -> memref<80xi32, #tpu.memory_space<hbm>>
    tpu.enqueue_dma source(%dma_start3A_27 : memref<80xi32, #tpu.memory_space<hbm>>) target(%dma_start3A_26 : memref<80xi32, #tpu.memory_space<vmem>>) target_semaphore(%arg10 : memref<!tpu.dma_semaphore, #tpu.memory_space<semaphore_mem>>)
    %add3A_28 = arith.constant 32 : i32
    %add3A_29 = arith.addi %add3A_28, %add3A : i32
    %mul3A_30 = arith.constant 80 : i32
    %mul3A_31 = arith.muli %add3A_29, %mul3A_30 : i32
    %dma_start3A_32 = arith.constant 1 : i32
    %dma_start3A_33 = arith.constant 0 : i32
    %dma_start3A_34 = arith.constant 0 : i32
    %dma_start3A_35 = tpu.memref_slice %arg6[%dma_start3A_32, %dma_start3A_33, %dma_start3A_34] : memref<4x80x128xf32, #tpu.memory_space<vmem>> -> memref<1x80x128xf32, #tpu.memory_space<vmem>>
    %dma_start3A_36 = tpu.memref_squeeze %dma_start3A_35 : memref<1x80x128xf32, #tpu.memory_space<vmem>> -> memref<80x128xf32, #tpu.memory_space<vmem>>
    %dma_start3A_37 = arith.constant 0 : i32
    %dma_start3A_38 = tpu.memref_slice %arg2[%mul3A_31, %dma_start3A_37] : memref<320000x128xf32, #tpu.memory_space<hbm>> -> memref<80x128xf32, #tpu.memory_space<hbm>>
    %dma_start3A_39 = arith.constant 0 : i32
    %dma_start3A_40 = arith.constant 0 : i32
    %dma_start3A_41 = tpu.memref_slice %arg6[%dma_start3A_32, %dma_start3A_39, %dma_start3A_40] : memref<4x80x128xf32, #tpu.memory_space<vmem>> -> memref<1x80x128xf32, #tpu.memory_space<vmem>>
    %dma_start3A_42 = tpu.memref_squeeze %dma_start3A_41 : memref<1x80x128xf32, #tpu.memory_space<vmem>> -> memref<80x128xf32, #tpu.memory_space<vmem>>
    %dma_start3A_43 = arith.constant 0 : i32
    %dma_start3A_44 = tpu.memref_slice %arg2[%mul3A_31, %dma_start3A_43] : memref<320000x128xf32, #tpu.memory_space<hbm>> -> memref<80x128xf32, #tpu.memory_space<hbm>>
    tpu.enqueue_dma source(%dma_start3A_44 : memref<80x128xf32, #tpu.memory_space<hbm>>) target(%dma_start3A_42 : memref<80x128xf32, #tpu.memory_space<vmem>>) target_semaphore(%arg11 : memref<!tpu.dma_semaphore, #tpu.memory_space<semaphore_mem>>)
    %dma_start3A_45 = arith.constant 1 : i32
    %dma_start3A_46 = arith.constant 0 : i32
    %dma_start3A_47 = tpu.memref_slice %arg7[%dma_start3A_45, %dma_start3A_46] : memref<4x80xi32, #tpu.memory_space<vmem>> -> memref<1x80xi32, #tpu.memory_space<vmem>>
    %dma_start3A_48 = tpu.memref_squeeze %dma_start3A_47 : memref<1x80xi32, #tpu.memory_space<vmem>> -> memref<80xi32, #tpu.memory_space<vmem>>
    %dma_start3A_49 = tpu.memref_slice %arg3[%mul3A_31] : memref<320000xi32, #tpu.memory_space<hbm>> -> memref<80xi32, #tpu.memory_space<hbm>>
    %dma_start3A_50 = arith.constant 0 : i32
    %dma_start3A_51 = tpu.memref_slice %arg7[%dma_start3A_45, %dma_start3A_50] : memref<4x80xi32, #tpu.memory_space<vmem>> -> memref<1x80xi32, #tpu.memory_space<vmem>>
    %dma_start3A_52 = tpu.memref_squeeze %dma_start3A_51 : memref<1x80xi32, #tpu.memory_space<vmem>> -> memref<80xi32, #tpu.memory_space<vmem>>
    %dma_start3A_53 = tpu.memref_slice %arg3[%mul3A_31] : memref<320000xi32, #tpu.memory_space<hbm>> -> memref<80xi32, #tpu.memory_space<hbm>>
    tpu.enqueue_dma source(%dma_start3A_53 : memref<80xi32, #tpu.memory_space<hbm>>) target(%dma_start3A_52 : memref<80xi32, #tpu.memory_space<vmem>>) target_semaphore(%arg11 : memref<!tpu.dma_semaphore, #tpu.memory_space<semaphore_mem>>)
    %add3A_54 = arith.constant 64 : i32
    %add3A_55 = arith.addi %add3A_54, %add3A : i32
    %mul3A_56 = arith.constant 80 : i32
    %mul3A_57 = arith.muli %add3A_55, %mul3A_56 : i32
    %dma_start3A_58 = arith.constant 2 : i32
    %dma_start3A_59 = arith.constant 0 : i32
    %dma_start3A_60 = arith.constant 0 : i32
    %dma_start3A_61 = tpu.memref_slice %arg6[%dma_start3A_58, %dma_start3A_59, %dma_start3A_60] : memref<4x80x128xf32, #tpu.memory_space<vmem>> -> memref<1x80x128xf32, #tpu.memory_space<vmem>>
    %dma_start3A_62 = tpu.memref_squeeze %dma_start3A_61 : memref<1x80x128xf32, #tpu.memory_space<vmem>> -> memref<80x128xf32, #tpu.memory_space<vmem>>
    %dma_start3A_63 = arith.constant 0 : i32
    %dma_start3A_64 = tpu.memref_slice %arg2[%mul3A_57, %dma_start3A_63] : memref<320000x128xf32, #tpu.memory_space<hbm>> -> memref<80x128xf32, #tpu.memory_space<hbm>>
    %dma_start3A_65 = arith.constant 0 : i32
    %dma_start3A_66 = arith.constant 0 : i32
    %dma_start3A_67 = tpu.memref_slice %arg6[%dma_start3A_58, %dma_start3A_65, %dma_start3A_66] : memref<4x80x128xf32, #tpu.memory_space<vmem>> -> memref<1x80x128xf32, #tpu.memory_space<vmem>>
    %dma_start3A_68 = tpu.memref_squeeze %dma_start3A_67 : memref<1x80x128xf32, #tpu.memory_space<vmem>> -> memref<80x128xf32, #tpu.memory_space<vmem>>
    %dma_start3A_69 = arith.constant 0 : i32
    %dma_start3A_70 = tpu.memref_slice %arg2[%mul3A_57, %dma_start3A_69] : memref<320000x128xf32, #tpu.memory_space<hbm>> -> memref<80x128xf32, #tpu.memory_space<hbm>>
    tpu.enqueue_dma source(%dma_start3A_70 : memref<80x128xf32, #tpu.memory_space<hbm>>) target(%dma_start3A_68 : memref<80x128xf32, #tpu.memory_space<vmem>>) target_semaphore(%arg12 : memref<!tpu.dma_semaphore, #tpu.memory_space<semaphore_mem>>)
    %dma_start3A_71 = arith.constant 2 : i32
    %dma_start3A_72 = arith.constant 0 : i32
    %dma_start3A_73 = tpu.memref_slice %arg7[%dma_start3A_71, %dma_start3A_72] : memref<4x80xi32, #tpu.memory_space<vmem>> -> memref<1x80xi32, #tpu.memory_space<vmem>>
    %dma_start3A_74 = tpu.memref_squeeze %dma_start3A_73 : memref<1x80xi32, #tpu.memory_space<vmem>> -> memref<80xi32, #tpu.memory_space<vmem>>
    %dma_start3A_75 = tpu.memref_slice %arg3[%mul3A_57] : memref<320000xi32, #tpu.memory_space<hbm>> -> memref<80xi32, #tpu.memory_space<hbm>>
    %dma_start3A_76 = arith.constant 0 : i32
    %dma_start3A_77 = tpu.memref_slice %arg7[%dma_start3A_71, %dma_start3A_76] : memref<4x80xi32, #tpu.memory_space<vmem>> -> memref<1x80xi32, #tpu.memory_space<vmem>>
    %dma_start3A_78 = tpu.memref_squeeze %dma_start3A_77 : memref<1x80xi32, #tpu.memory_space<vmem>> -> memref<80xi32, #tpu.memory_space<vmem>>
    %dma_start3A_79 = tpu.memref_slice %arg3[%mul3A_57] : memref<320000xi32, #tpu.memory_space<hbm>> -> memref<80xi32, #tpu.memory_space<hbm>>
    tpu.enqueue_dma source(%dma_start3A_79 : memref<80xi32, #tpu.memory_space<hbm>>) target(%dma_start3A_78 : memref<80xi32, #tpu.memory_space<vmem>>) target_semaphore(%arg12 : memref<!tpu.dma_semaphore, #tpu.memory_space<semaphore_mem>>)
    %scan3A = arith.constant 0 : i32
    %scan3A_80 = arith.constant 0 : i32
    %scan3A_81 = arith.constant 8 : i32
    %scan3A_82 = arith.addi %scan3A_80, %scan3A_81 : i32
    %scan3A_83 = arith.constant 1 : i32
    scf.for %scan3A_749 = %scan3A_80 to %scan3A_82 step %scan3A_83  : i32 {
      %scan3A_750 = arith.constant 0 : i32
      %scan3A_751 = arith.constant 8 : i32
      %scan3A_752 = arith.addi %scan3A_750, %scan3A_751 : i32
      %scan3A_753 = arith.constant 1 : i32
      scf.for %scan3A_755 = %scan3A_750 to %scan3A_752 step %scan3A_753  : i32 {
        %broadcast_in_dim3A = arith.constant 0.000000e+00 : f32
        %broadcast_in_dim3A_756 = vector.broadcast %broadcast_in_dim3A : f32 to vector<16xf32>
        %mul3A_757 = arith.constant 16 : i32
        %mul3A_758 = arith.muli %scan3A_755, %mul3A_757 : i32
        %swap3A = arith.index_cast %scan3A_749 : i32 to index
        %swap3A_759 = arith.index_cast %mul3A_758 : i32 to index
        %swap3A_760 = tpu.vector_load %arg8[%swap3A, %swap3A_759] {strides = array<i32>} : memref<8x128xf32, #tpu.memory_space<vmem>>, vector<1x16xf32>,
        %swap3A_761 = vector.shape_cast %swap3A_760 : vector<1x16xf32> to vector<16xf32>
        %swap3A_762 = vector.shape_cast %broadcast_in_dim3A_756 : vector<16xf32> to vector<1x16xf32>
        tpu.vector_store %arg8[%swap3A, %swap3A_759], %swap3A_762 {strides = array<i32>} : memref<8x128xf32, #tpu.memory_space<vmem>>, vector<1x16xf32>,
      }
      %scan3A_754 = arith.constant 8 : i32
    }
    %scan3A_84 = arith.constant 8 : i32
    %mul3A_85 = arith.constant 624 : i32
    %mul3A_86 = arith.muli %arg1, %mul3A_85 : i32
    %eq3A = arith.constant 15 : i32
    %eq3A_87 = arith.cmpi eq, %arg1, %eq3A : i32
    %select_n3A = arith.constant 78 : i32
    %select_n3A_88 = arith.constant 80 : i32
    %select_n3A_89 = arith.select %eq3A_87, %select_n3A_88, %select_n3A : i32
    %while3A = arith.constant 0 : i32
    %while3A_90 = arith.constant 0 : i32
    %while3A_91 = arith.subi %select_n3A_89, %while3A_90 : i32
    %while3A_92 = arith.addi %while3A_90, %while3A_91 : i32
    %while3A_93 = arith.constant 1 : i32
    %while3A_94 = arith.divsi %while3A_91, %while3A_93 : i32
    %while3A_95 = arith.muli %while3A_94, %while3A_93 : i32
    %while3A_96 = arith.addi %while3A_90, %while3A_95 : i32
    %while3A_97 = arith.constant 1 : i32
    scf.for %while3A_749 = %while3A_90 to %while3A_96 step %while3A_97  : i32 {
      %mul3A_750 = arith.constant 8 : i32
      %mul3A_751 = arith.muli %while3A_749, %mul3A_750 : i32
      %add3A_752 = arith.addi %mul3A_86, %mul3A_751 : i32
      %dma_start3A_753 = arith.constant 0 : i32
      %dma_start3A_754 = tpu.memref_slice %arg9[%add3A_752, %dma_start3A_753] : memref<10000x128xf32, #tpu.memory_space<vmem_shared>> -> memref<8x128xf32, #tpu.memory_space<vmem_shared>>
      %dma_start3A_755 = arith.constant 0 : i32
      %dma_start3A_756 = tpu.memref_slice %arg9[%add3A_752, %dma_start3A_755] : memref<10000x128xf32, #tpu.memory_space<vmem_shared>> -> memref<8x128xf32, #tpu.memory_space<vmem_shared>>
      tpu.enqueue_dma source(%arg8 : memref<8x128xf32, #tpu.memory_space<vmem>>) target(%dma_start3A_756 : memref<8x128xf32, #tpu.memory_space<vmem_shared>>) target_semaphore(%arg16 : memref<!tpu.dma_semaphore, #tpu.memory_space<semaphore_mem>>)
    }
    %while3A_98 = arith.constant 1 : i32
    scf.for %while3A_749 = %while3A_96 to %while3A_92 step %while3A_98  : i32 {
      %mul3A_750 = arith.constant 8 : i32
      %mul3A_751 = arith.muli %while3A_749, %mul3A_750 : i32
      %add3A_752 = arith.addi %mul3A_86, %mul3A_751 : i32
      %dma_start3A_753 = arith.constant 0 : i32
      %dma_start3A_754 = tpu.memref_slice %arg9[%add3A_752, %dma_start3A_753] : memref<10000x128xf32, #tpu.memory_space<vmem_shared>> -> memref<8x128xf32, #tpu.memory_space<vmem_shared>>
      %dma_start3A_755 = arith.constant 0 : i32
      %dma_start3A_756 = tpu.memref_slice %arg9[%add3A_752, %dma_start3A_755] : memref<10000x128xf32, #tpu.memory_space<vmem_shared>> -> memref<8x128xf32, #tpu.memory_space<vmem_shared>>
      tpu.enqueue_dma source(%arg8 : memref<8x128xf32, #tpu.memory_space<vmem>>) target(%dma_start3A_756 : memref<8x128xf32, #tpu.memory_space<vmem_shared>>) target_semaphore(%arg16 : memref<!tpu.dma_semaphore, #tpu.memory_space<semaphore_mem>>)
    }
    %while3A_99 = arith.constant 0 : i32
    %while3A_100 = arith.constant 0 : i32
    %while3A_101 = arith.subi %select_n3A_89, %while3A_100 : i32
    %while3A_102 = arith.addi %while3A_100, %while3A_101 : i32
    %while3A_103 = arith.constant 1 : i32
    %while3A_104 = arith.divsi %while3A_101, %while3A_103 : i32
    %while3A_105 = arith.muli %while3A_104, %while3A_103 : i32
    %while3A_106 = arith.addi %while3A_100, %while3A_105 : i32
    %while3A_107 = arith.constant 1 : i32
    scf.for %while3A_749 = %while3A_100 to %while3A_106 step %while3A_107  : i32 {
      %mul3A_750 = arith.constant 8 : i32
      %mul3A_751 = arith.muli %while3A_749, %mul3A_750 : i32
      %add3A_752 = arith.addi %mul3A_86, %mul3A_751 : i32
      %dma_wait3A_753 = arith.constant 0 : i32
      %dma_wait3A_754 = tpu.memref_slice %arg9[%add3A_752, %dma_wait3A_753] : memref<10000x128xf32, #tpu.memory_space<vmem_shared>> -> memref<8x128xf32, #tpu.memory_space<vmem_shared>>
      %dma_wait3A_755 = arith.constant 0 : i32
      %dma_wait3A_756 = tpu.memref_slice %arg9[%add3A_752, %dma_wait3A_755] : memref<10000x128xf32, #tpu.memory_space<vmem_shared>> -> memref<8x128xf32, #tpu.memory_space<vmem_shared>>
      tpu.wait_dma2 semaphore(%arg16 : memref<!tpu.dma_semaphore, #tpu.memory_space<semaphore_mem>>) src(%arg8 : memref<8x128xf32, #tpu.memory_space<vmem>>) dst(%dma_wait3A_756 : memref<8x128xf32, #tpu.memory_space<vmem_shared>>)
    }
    %while3A_108 = arith.constant 1 : i32
    scf.for %while3A_749 = %while3A_106 to %while3A_102 step %while3A_108  : i32 {
      %mul3A_750 = arith.constant 8 : i32
      %mul3A_751 = arith.muli %while3A_749, %mul3A_750 : i32
      %add3A_752 = arith.addi %mul3A_86, %mul3A_751 : i32
      %dma_wait3A_753 = arith.constant 0 : i32
      %dma_wait3A_754 = tpu.memref_slice %arg9[%add3A_752, %dma_wait3A_753] : memref<10000x128xf32, #tpu.memory_space<vmem_shared>> -> memref<8x128xf32, #tpu.memory_space<vmem_shared>>
      %dma_wait3A_755 = arith.constant 0 : i32
      %dma_wait3A_756 = tpu.memref_slice %arg9[%add3A_752, %dma_wait3A_755] : memref<10000x128xf32, #tpu.memory_space<vmem_shared>> -> memref<8x128xf32, #tpu.memory_space<vmem_shared>>
      tpu.wait_dma2 semaphore(%arg16 : memref<!tpu.dma_semaphore, #tpu.memory_space<semaphore_mem>>) src(%arg8 : memref<8x128xf32, #tpu.memory_space<vmem>>) dst(%dma_wait3A_756 : memref<8x128xf32, #tpu.memory_space<vmem_shared>>)
    }
    %barrier3A = arith.constant 0 : index
    tpu.barrier barrier_id(%barrier3A)
    %add3A_109 = arith.constant 0 : i32
    %add3A_110 = arith.addi %add3A_109, %add3A : i32
    %mul3A_111 = arith.constant 80 : i32
    %mul3A_112 = arith.muli %add3A_110, %mul3A_111 : i32
    %dma_wait3A = arith.constant 0 : i32
    %dma_wait3A_113 = arith.constant 0 : i32
    %dma_wait3A_114 = arith.constant 0 : i32
    %dma_wait3A_115 = tpu.memref_slice %arg6[%dma_wait3A, %dma_wait3A_113, %dma_wait3A_114] : memref<4x80x128xf32, #tpu.memory_space<vmem>> -> memref<1x80x128xf32, #tpu.memory_space<vmem>>
    %dma_wait3A_116 = tpu.memref_squeeze %dma_wait3A_115 : memref<1x80x128xf32, #tpu.memory_space<vmem>> -> memref<80x128xf32, #tpu.memory_space<vmem>>
    %dma_wait3A_117 = arith.constant 0 : i32
    %dma_wait3A_118 = tpu.memref_slice %arg2[%mul3A_112, %dma_wait3A_117] : memref<320000x128xf32, #tpu.memory_space<hbm>> -> memref<80x128xf32, #tpu.memory_space<hbm>>
    %dma_wait3A_119 = arith.constant 0 : i32
    %dma_wait3A_120 = arith.constant 0 : i32
    %dma_wait3A_121 = tpu.memref_slice %arg6[%dma_wait3A, %dma_wait3A_119, %dma_wait3A_120] : memref<4x80x128xf32, #tpu.memory_space<vmem>> -> memref<1x80x128xf32, #tpu.memory_space<vmem>>
    %dma_wait3A_122 = tpu.memref_squeeze %dma_wait3A_121 : memref<1x80x128xf32, #tpu.memory_space<vmem>> -> memref<80x128xf32, #tpu.memory_space<vmem>>
    %dma_wait3A_123 = arith.constant 0 : i32
    %dma_wait3A_124 = tpu.memref_slice %arg2[%mul3A_112, %dma_wait3A_123] : memref<320000x128xf32, #tpu.memory_space<hbm>> -> memref<80x128xf32, #tpu.memory_space<hbm>>
    tpu.wait_dma2 semaphore(%arg10 : memref<!tpu.dma_semaphore, #tpu.memory_space<semaphore_mem>>) src(%dma_wait3A_124 : memref<80x128xf32, #tpu.memory_space<hbm>>) dst(%dma_wait3A_122 : memref<80x128xf32, #tpu.memory_space<vmem>>)
    %dma_wait3A_125 = arith.constant 0 : i32
    %dma_wait3A_126 = arith.constant 0 : i32
    %dma_wait3A_127 = tpu.memref_slice %arg7[%dma_wait3A_125, %dma_wait3A_126] : memref<4x80xi32, #tpu.memory_space<vmem>> -> memref<1x80xi32, #tpu.memory_space<vmem>>
    %dma_wait3A_128 = tpu.memref_squeeze %dma_wait3A_127 : memref<1x80xi32, #tpu.memory_space<vmem>> -> memref<80xi32, #tpu.memory_space<vmem>>
    %dma_wait3A_129 = tpu.memref_slice %arg3[%mul3A_112] : memref<320000xi32, #tpu.memory_space<hbm>> -> memref<80xi32, #tpu.memory_space<hbm>>
    %dma_wait3A_130 = arith.constant 0 : i32
    %dma_wait3A_131 = tpu.memref_slice %arg7[%dma_wait3A_125, %dma_wait3A_130] : memref<4x80xi32, #tpu.memory_space<vmem>> -> memref<1x80xi32, #tpu.memory_space<vmem>>
    %dma_wait3A_132 = tpu.memref_squeeze %dma_wait3A_131 : memref<1x80xi32, #tpu.memory_space<vmem>> -> memref<80xi32, #tpu.memory_space<vmem>>
    %dma_wait3A_133 = tpu.memref_slice %arg3[%mul3A_112] : memref<320000xi32, #tpu.memory_space<hbm>> -> memref<80xi32, #tpu.memory_space<hbm>>
    tpu.wait_dma2 semaphore(%arg10 : memref<!tpu.dma_semaphore, #tpu.memory_space<semaphore_mem>>) src(%dma_wait3A_133 : memref<80xi32, #tpu.memory_space<hbm>>) dst(%dma_wait3A_132 : memref<80xi32, #tpu.memory_space<vmem>>)
    %dma_start3A_134 = arith.constant 0 : i32
    %dma_start3A_135 = arith.constant 0 : i32
    %dma_start3A_136 = arith.constant 0 : i32
    %dma_start3A_137 = arith.constant 0 : i32
    %dma_start3A_138 = tpu.memref_slice %arg6[%dma_start3A_134, %dma_start3A_136, %dma_start3A_137] : memref<4x80x128xf32, #tpu.memory_space<vmem>> -> memref<1x80x128xf32, #tpu.memory_space<vmem>>
    %dma_start3A_139 = tpu.memref_squeeze %dma_start3A_138 : memref<1x80x128xf32, #tpu.memory_space<vmem>> -> memref<80x128xf32, #tpu.memory_space<vmem>>
    %dma_start3A_140 = arith.constant 0 : i32
    %dma_start3A_141 = tpu.memref_slice %arg7[%dma_start3A_135, %dma_start3A_140] : memref<4x80xi32, #tpu.memory_space<vmem>> -> memref<1x80xi32, #tpu.memory_space<vmem>>
    %dma_start3A_142 = tpu.memref_squeeze %dma_start3A_141 : memref<1x80xi32, #tpu.memory_space<vmem>> -> memref<80xi32, #tpu.memory_space<vmem>>
    %dma_start3A_143 = arith.constant 0 : i32
    %dma_start3A_144 = arith.constant 0 : i32
    %dma_start3A_145 = tpu.memref_slice %arg9[%dma_start3A_143, %dma_start3A_144] : memref<10000x128xf32, #tpu.memory_space<vmem_shared>> -> memref<10000x128xf32, #tpu.memory_space<vmem_shared>>
    tpu.enqueue_indirect_dma source(%dma_start3A_139 : memref<80x128xf32, #tpu.memory_space<vmem>>) target(%dma_start3A_145 : memref<10000x128xf32, #tpu.memory_space<vmem_shared>>) offsets(%dma_start3A_142 : memref<80xi32, #tpu.memory_space<vmem>>) semaphore(%arg14 : memref<!tpu.dma_semaphore, #tpu.memory_space<semaphore_mem>>) {add = true}
    %add3A_146 = arith.constant 96 : i32
    %add3A_147 = arith.addi %add3A_146, %add3A : i32
    %mul3A_148 = arith.constant 80 : i32
    %mul3A_149 = arith.muli %add3A_147, %mul3A_148 : i32
    %dma_start3A_150 = arith.constant 3 : i32
    %dma_start3A_151 = arith.constant 0 : i32
    %dma_start3A_152 = arith.constant 0 : i32
    %dma_start3A_153 = tpu.memref_slice %arg6[%dma_start3A_150, %dma_start3A_151, %dma_start3A_152] : memref<4x80x128xf32, #tpu.memory_space<vmem>> -> memref<1x80x128xf32, #tpu.memory_space<vmem>>
    %dma_start3A_154 = tpu.memref_squeeze %dma_start3A_153 : memref<1x80x128xf32, #tpu.memory_space<vmem>> -> memref<80x128xf32, #tpu.memory_space<vmem>>
    %dma_start3A_155 = arith.constant 0 : i32
    %dma_start3A_156 = tpu.memref_slice %arg2[%mul3A_149, %dma_start3A_155] : memref<320000x128xf32, #tpu.memory_space<hbm>> -> memref<80x128xf32, #tpu.memory_space<hbm>>
    %dma_start3A_157 = arith.constant 0 : i32
    %dma_start3A_158 = arith.constant 0 : i32
    %dma_start3A_159 = tpu.memref_slice %arg6[%dma_start3A_150, %dma_start3A_157, %dma_start3A_158] : memref<4x80x128xf32, #tpu.memory_space<vmem>> -> memref<1x80x128xf32, #tpu.memory_space<vmem>>
    %dma_start3A_160 = tpu.memref_squeeze %dma_start3A_159 : memref<1x80x128xf32, #tpu.memory_space<vmem>> -> memref<80x128xf32, #tpu.memory_space<vmem>>
    %dma_start3A_161 = arith.constant 0 : i32
    %dma_start3A_162 = tpu.memref_slice %arg2[%mul3A_149, %dma_start3A_161] : memref<320000x128xf32, #tpu.memory_space<hbm>> -> memref<80x128xf32, #tpu.memory_space<hbm>>
    tpu.enqueue_dma source(%dma_start3A_162 : memref<80x128xf32, #tpu.memory_space<hbm>>) target(%dma_start3A_160 : memref<80x128xf32, #tpu.memory_space<vmem>>) target_semaphore(%arg13 : memref<!tpu.dma_semaphore, #tpu.memory_space<semaphore_mem>>)
    %dma_start3A_163 = arith.constant 3 : i32
    %dma_start3A_164 = arith.constant 0 : i32
    %dma_start3A_165 = tpu.memref_slice %arg7[%dma_start3A_163, %dma_start3A_164] : memref<4x80xi32, #tpu.memory_space<vmem>> -> memref<1x80xi32, #tpu.memory_space<vmem>>
    %dma_start3A_166 = tpu.memref_squeeze %dma_start3A_165 : memref<1x80xi32, #tpu.memory_space<vmem>> -> memref<80xi32, #tpu.memory_space<vmem>>
    %dma_start3A_167 = tpu.memref_slice %arg3[%mul3A_149] : memref<320000xi32, #tpu.memory_space<hbm>> -> memref<80xi32, #tpu.memory_space<hbm>>
    %dma_start3A_168 = arith.constant 0 : i32
    %dma_start3A_169 = tpu.memref_slice %arg7[%dma_start3A_163, %dma_start3A_168] : memref<4x80xi32, #tpu.memory_space<vmem>> -> memref<1x80xi32, #tpu.memory_space<vmem>>
    %dma_start3A_170 = tpu.memref_squeeze %dma_start3A_169 : memref<1x80xi32, #tpu.memory_space<vmem>> -> memref<80xi32, #tpu.memory_space<vmem>>
    %dma_start3A_171 = tpu.memref_slice %arg3[%mul3A_149] : memref<320000xi32, #tpu.memory_space<hbm>> -> memref<80xi32, #tpu.memory_space<hbm>>
    tpu.enqueue_dma source(%dma_start3A_171 : memref<80xi32, #tpu.memory_space<hbm>>) target(%dma_start3A_170 : memref<80xi32, #tpu.memory_space<vmem>>) target_semaphore(%arg13 : memref<!tpu.dma_semaphore, #tpu.memory_space<semaphore_mem>>)
    %add3A_172 = arith.constant 32 : i32
    %add3A_173 = arith.addi %add3A_172, %add3A : i32
    %mul3A_174 = arith.constant 80 : i32
    %mul3A_175 = arith.muli %add3A_173, %mul3A_174 : i32
    %dma_wait3A_176 = arith.constant 1 : i32
    %dma_wait3A_177 = arith.constant 0 : i32
    %dma_wait3A_178 = arith.constant 0 : i32
    %dma_wait3A_179 = tpu.memref_slice %arg6[%dma_wait3A_176, %dma_wait3A_177, %dma_wait3A_178] : memref<4x80x128xf32, #tpu.memory_space<vmem>> -> memref<1x80x128xf32, #tpu.memory_space<vmem>>
    %dma_wait3A_180 = tpu.memref_squeeze %dma_wait3A_179 : memref<1x80x128xf32, #tpu.memory_space<vmem>> -> memref<80x128xf32, #tpu.memory_space<vmem>>
    %dma_wait3A_181 = arith.constant 0 : i32
    %dma_wait3A_182 = tpu.memref_slice %arg2[%mul3A_175, %dma_wait3A_181] : memref<320000x128xf32, #tpu.memory_space<hbm>> -> memref<80x128xf32, #tpu.memory_space<hbm>>
    %dma_wait3A_183 = arith.constant 0 : i32
    %dma_wait3A_184 = arith.constant 0 : i32
    %dma_wait3A_185 = tpu.memref_slice %arg6[%dma_wait3A_176, %dma_wait3A_183, %dma_wait3A_184] : memref<4x80x128xf32, #tpu.memory_space<vmem>> -> memref<1x80x128xf32, #tpu.memory_space<vmem>>
    %dma_wait3A_186 = tpu.memref_squeeze %dma_wait3A_185 : memref<1x80x128xf32, #tpu.memory_space<vmem>> -> memref<80x128xf32, #tpu.memory_space<vmem>>
    %dma_wait3A_187 = arith.constant 0 : i32
    %dma_wait3A_188 = tpu.memref_slice %arg2[%mul3A_175, %dma_wait3A_187] : memref<320000x128xf32, #tpu.memory_space<hbm>> -> memref<80x128xf32, #tpu.memory_space<hbm>>
    tpu.wait_dma2 semaphore(%arg11 : memref<!tpu.dma_semaphore, #tpu.memory_space<semaphore_mem>>) src(%dma_wait3A_188 : memref<80x128xf32, #tpu.memory_space<hbm>>) dst(%dma_wait3A_186 : memref<80x128xf32, #tpu.memory_space<vmem>>)
    %dma_wait3A_189 = arith.constant 1 : i32
    %dma_wait3A_190 = arith.constant 0 : i32
    %dma_wait3A_191 = tpu.memref_slice %arg7[%dma_wait3A_189, %dma_wait3A_190] : memref<4x80xi32, #tpu.memory_space<vmem>> -> memref<1x80xi32, #tpu.memory_space<vmem>>
    %dma_wait3A_192 = tpu.memref_squeeze %dma_wait3A_191 : memref<1x80xi32, #tpu.memory_space<vmem>> -> memref<80xi32, #tpu.memory_space<vmem>>
    %dma_wait3A_193 = tpu.memref_slice %arg3[%mul3A_175] : memref<320000xi32, #tpu.memory_space<hbm>> -> memref<80xi32, #tpu.memory_space<hbm>>
    %dma_wait3A_194 = arith.constant 0 : i32
    %dma_wait3A_195 = tpu.memref_slice %arg7[%dma_wait3A_189, %dma_wait3A_194] : memref<4x80xi32, #tpu.memory_space<vmem>> -> memref<1x80xi32, #tpu.memory_space<vmem>>
    %dma_wait3A_196 = tpu.memref_squeeze %dma_wait3A_195 : memref<1x80xi32, #tpu.memory_space<vmem>> -> memref<80xi32, #tpu.memory_space<vmem>>
    %dma_wait3A_197 = tpu.memref_slice %arg3[%mul3A_175] : memref<320000xi32, #tpu.memory_space<hbm>> -> memref<80xi32, #tpu.memory_space<hbm>>
    tpu.wait_dma2 semaphore(%arg11 : memref<!tpu.dma_semaphore, #tpu.memory_space<semaphore_mem>>) src(%dma_wait3A_197 : memref<80xi32, #tpu.memory_space<hbm>>) dst(%dma_wait3A_196 : memref<80xi32, #tpu.memory_space<vmem>>)
    %dma_wait3A_198 = arith.constant 0 : i32
    %dma_wait3A_199 = arith.constant 0 : i32
    %dma_wait3A_200 = arith.constant 0 : i32
    %dma_wait3A_201 = arith.constant 0 : i32
    %dma_wait3A_202 = tpu.memref_slice %arg6[%dma_wait3A_198, %dma_wait3A_200, %dma_wait3A_201] : memref<4x80x128xf32, #tpu.memory_space<vmem>> -> memref<1x80x128xf32, #tpu.memory_space<vmem>>
    %dma_wait3A_203 = tpu.memref_squeeze %dma_wait3A_202 : memref<1x80x128xf32, #tpu.memory_space<vmem>> -> memref<80x128xf32, #tpu.memory_space<vmem>>
    %dma_wait3A_204 = arith.constant 0 : i32
    %dma_wait3A_205 = tpu.memref_slice %arg7[%dma_wait3A_199, %dma_wait3A_204] : memref<4x80xi32, #tpu.memory_space<vmem>> -> memref<1x80xi32, #tpu.memory_space<vmem>>
    %dma_wait3A_206 = tpu.memref_squeeze %dma_wait3A_205 : memref<1x80xi32, #tpu.memory_space<vmem>> -> memref<80xi32, #tpu.memory_space<vmem>>
    %dma_wait3A_207 = arith.constant 0 : i32
    %dma_wait3A_208 = arith.constant 0 : i32
    %dma_wait3A_209 = tpu.memref_slice %arg9[%dma_wait3A_207, %dma_wait3A_208] : memref<10000x128xf32, #tpu.memory_space<vmem_shared>> -> memref<10000x128xf32, #tpu.memory_space<vmem_shared>>
    tpu.wait_indirect_dma semaphore(%arg14 : memref<!tpu.dma_semaphore, #tpu.memory_space<semaphore_mem>>) src(%dma_wait3A_203 : memref<80x128xf32, #tpu.memory_space<vmem>>) dst(%dma_wait3A_209 : memref<10000x128xf32, #tpu.memory_space<vmem_shared>>)
    %dma_start3A_210 = arith.constant 1 : i32
    %dma_start3A_211 = arith.constant 1 : i32
    %dma_start3A_212 = arith.constant 0 : i32
    %dma_start3A_213 = arith.constant 0 : i32
    %dma_start3A_214 = tpu.memref_slice %arg6[%dma_start3A_210, %dma_start3A_212, %dma_start3A_213] : memref<4x80x128xf32, #tpu.memory_space<vmem>> -> memref<1x80x128xf32, #tpu.memory_space<vmem>>
    %dma_start3A_215 = tpu.memref_squeeze %dma_start3A_214 : memref<1x80x128xf32, #tpu.memory_space<vmem>> -> memref<80x128xf32, #tpu.memory_space<vmem>>
    %dma_start3A_216 = arith.constant 0 : i32
    %dma_start3A_217 = tpu.memref_slice %arg7[%dma_start3A_211, %dma_start3A_216] : memref<4x80xi32, #tpu.memory_space<vmem>> -> memref<1x80xi32, #tpu.memory_space<vmem>>
    %dma_start3A_218 = tpu.memref_squeeze %dma_start3A_217 : memref<1x80xi32, #tpu.memory_space<vmem>> -> memref<80xi32, #tpu.memory_space<vmem>>
    %dma_start3A_219 = arith.constant 0 : i32
    %dma_start3A_220 = arith.constant 0 : i32
    %dma_start3A_221 = tpu.memref_slice %arg9[%dma_start3A_219, %dma_start3A_220] : memref<10000x128xf32, #tpu.memory_space<vmem_shared>> -> memref<10000x128xf32, #tpu.memory_space<vmem_shared>>
    tpu.enqueue_indirect_dma source(%dma_start3A_215 : memref<80x128xf32, #tpu.memory_space<vmem>>) target(%dma_start3A_221 : memref<10000x128xf32, #tpu.memory_space<vmem_shared>>) offsets(%dma_start3A_218 : memref<80xi32, #tpu.memory_space<vmem>>) semaphore(%arg15 : memref<!tpu.dma_semaphore, #tpu.memory_space<semaphore_mem>>) {add = true}
    %add3A_222 = arith.constant 128 : i32
    %add3A_223 = arith.addi %add3A_222, %add3A : i32
    %mul3A_224 = arith.constant 80 : i32
    %mul3A_225 = arith.muli %add3A_223, %mul3A_224 : i32
    %dma_start3A_226 = arith.constant 0 : i32
    %dma_start3A_227 = arith.constant 0 : i32
    %dma_start3A_228 = arith.constant 0 : i32
    %dma_start3A_229 = tpu.memref_slice %arg6[%dma_start3A_226, %dma_start3A_227, %dma_start3A_228] : memref<4x80x128xf32, #tpu.memory_space<vmem>> -> memref<1x80x128xf32, #tpu.memory_space<vmem>>
    %dma_start3A_230 = tpu.memref_squeeze %dma_start3A_229 : memref<1x80x128xf32, #tpu.memory_space<vmem>> -> memref<80x128xf32, #tpu.memory_space<vmem>>
    %dma_start3A_231 = arith.constant 0 : i32
    %dma_start3A_232 = tpu.memref_slice %arg2[%mul3A_225, %dma_start3A_231] : memref<320000x128xf32, #tpu.memory_space<hbm>> -> memref<80x128xf32, #tpu.memory_space<hbm>>
    %dma_start3A_233 = arith.constant 0 : i32
    %dma_start3A_234 = arith.constant 0 : i32
    %dma_start3A_235 = tpu.memref_slice %arg6[%dma_start3A_226, %dma_start3A_233, %dma_start3A_234] : memref<4x80x128xf32, #tpu.memory_space<vmem>> -> memref<1x80x128xf32, #tpu.memory_space<vmem>>
    %dma_start3A_236 = tpu.memref_squeeze %dma_start3A_235 : memref<1x80x128xf32, #tpu.memory_space<vmem>> -> memref<80x128xf32, #tpu.memory_space<vmem>>
    %dma_start3A_237 = arith.constant 0 : i32
    %dma_start3A_238 = tpu.memref_slice %arg2[%mul3A_225, %dma_start3A_237] : memref<320000x128xf32, #tpu.memory_space<hbm>> -> memref<80x128xf32, #tpu.memory_space<hbm>>
    tpu.enqueue_dma source(%dma_start3A_238 : memref<80x128xf32, #tpu.memory_space<hbm>>) target(%dma_start3A_236 : memref<80x128xf32, #tpu.memory_space<vmem>>) target_semaphore(%arg10 : memref<!tpu.dma_semaphore, #tpu.memory_space<semaphore_mem>>)
    %dma_start3A_239 = arith.constant 0 : i32
    %dma_start3A_240 = arith.constant 0 : i32
    %dma_start3A_241 = tpu.memref_slice %arg7[%dma_start3A_239, %dma_start3A_240] : memref<4x80xi32, #tpu.memory_space<vmem>> -> memref<1x80xi32, #tpu.memory_space<vmem>>
    %dma_start3A_242 = tpu.memref_squeeze %dma_start3A_241 : memref<1x80xi32, #tpu.memory_space<vmem>> -> memref<80xi32, #tpu.memory_space<vmem>>
    %dma_start3A_243 = tpu.memref_slice %arg3[%mul3A_225] : memref<320000xi32, #tpu.memory_space<hbm>> -> memref<80xi32, #tpu.memory_space<hbm>>
    %dma_start3A_244 = arith.constant 0 : i32
    %dma_start3A_245 = tpu.memref_slice %arg7[%dma_start3A_239, %dma_start3A_244] : memref<4x80xi32, #tpu.memory_space<vmem>> -> memref<1x80xi32, #tpu.memory_space<vmem>>
    %dma_start3A_246 = tpu.memref_squeeze %dma_start3A_245 : memref<1x80xi32, #tpu.memory_space<vmem>> -> memref<80xi32, #tpu.memory_space<vmem>>
    %dma_start3A_247 = tpu.memref_slice %arg3[%mul3A_225] : memref<320000xi32, #tpu.memory_space<hbm>> -> memref<80xi32, #tpu.memory_space<hbm>>
    tpu.enqueue_dma source(%dma_start3A_247 : memref<80xi32, #tpu.memory_space<hbm>>) target(%dma_start3A_246 : memref<80xi32, #tpu.memory_space<vmem>>) target_semaphore(%arg10 : memref<!tpu.dma_semaphore, #tpu.memory_space<semaphore_mem>>)
    %add3A_248 = arith.constant 64 : i32
    %add3A_249 = arith.addi %add3A_248, %add3A : i32
    %mul3A_250 = arith.constant 80 : i32
    %mul3A_251 = arith.muli %add3A_249, %mul3A_250 : i32
    %dma_wait3A_252 = arith.constant 2 : i32
    %dma_wait3A_253 = arith.constant 0 : i32
    %dma_wait3A_254 = arith.constant 0 : i32
    %dma_wait3A_255 = tpu.memref_slice %arg6[%dma_wait3A_252, %dma_wait3A_253, %dma_wait3A_254] : memref<4x80x128xf32, #tpu.memory_space<vmem>> -> memref<1x80x128xf32, #tpu.memory_space<vmem>>
    %dma_wait3A_256 = tpu.memref_squeeze %dma_wait3A_255 : memref<1x80x128xf32, #tpu.memory_space<vmem>> -> memref<80x128xf32, #tpu.memory_space<vmem>>
    %dma_wait3A_257 = arith.constant 0 : i32
    %dma_wait3A_258 = tpu.memref_slice %arg2[%mul3A_251, %dma_wait3A_257] : memref<320000x128xf32, #tpu.memory_space<hbm>> -> memref<80x128xf32, #tpu.memory_space<hbm>>
    %dma_wait3A_259 = arith.constant 0 : i32
    %dma_wait3A_260 = arith.constant 0 : i32
    %dma_wait3A_261 = tpu.memref_slice %arg6[%dma_wait3A_252, %dma_wait3A_259, %dma_wait3A_260] : memref<4x80x128xf32, #tpu.memory_space<vmem>> -> memref<1x80x128xf32, #tpu.memory_space<vmem>>
    %dma_wait3A_262 = tpu.memref_squeeze %dma_wait3A_261 : memref<1x80x128xf32, #tpu.memory_space<vmem>> -> memref<80x128xf32, #tpu.memory_space<vmem>>
    %dma_wait3A_263 = arith.constant 0 : i32
    %dma_wait3A_264 = tpu.memref_slice %arg2[%mul3A_251, %dma_wait3A_263] : memref<320000x128xf32, #tpu.memory_space<hbm>> -> memref<80x128xf32, #tpu.memory_space<hbm>>
    tpu.wait_dma2 semaphore(%arg12 : memref<!tpu.dma_semaphore, #tpu.memory_space<semaphore_mem>>) src(%dma_wait3A_264 : memref<80x128xf32, #tpu.memory_space<hbm>>) dst(%dma_wait3A_262 : memref<80x128xf32, #tpu.memory_space<vmem>>)
    %dma_wait3A_265 = arith.constant 2 : i32
    %dma_wait3A_266 = arith.constant 0 : i32
    %dma_wait3A_267 = tpu.memref_slice %arg7[%dma_wait3A_265, %dma_wait3A_266] : memref<4x80xi32, #tpu.memory_space<vmem>> -> memref<1x80xi32, #tpu.memory_space<vmem>>
    %dma_wait3A_268 = tpu.memref_squeeze %dma_wait3A_267 : memref<1x80xi32, #tpu.memory_space<vmem>> -> memref<80xi32, #tpu.memory_space<vmem>>
    %dma_wait3A_269 = tpu.memref_slice %arg3[%mul3A_251] : memref<320000xi32, #tpu.memory_space<hbm>> -> memref<80xi32, #tpu.memory_space<hbm>>
    %dma_wait3A_270 = arith.constant 0 : i32
    %dma_wait3A_271 = tpu.memref_slice %arg7[%dma_wait3A_265, %dma_wait3A_270] : memref<4x80xi32, #tpu.memory_space<vmem>> -> memref<1x80xi32, #tpu.memory_space<vmem>>
    %dma_wait3A_272 = tpu.memref_squeeze %dma_wait3A_271 : memref<1x80xi32, #tpu.memory_space<vmem>> -> memref<80xi32, #tpu.memory_space<vmem>>
    %dma_wait3A_273 = tpu.memref_slice %arg3[%mul3A_251] : memref<320000xi32, #tpu.memory_space<hbm>> -> memref<80xi32, #tpu.memory_space<hbm>>
    tpu.wait_dma2 semaphore(%arg12 : memref<!tpu.dma_semaphore, #tpu.memory_space<semaphore_mem>>) src(%dma_wait3A_273 : memref<80xi32, #tpu.memory_space<hbm>>) dst(%dma_wait3A_272 : memref<80xi32, #tpu.memory_space<vmem>>)
    %dma_wait3A_274 = arith.constant 1 : i32
    %dma_wait3A_275 = arith.constant 1 : i32
    %dma_wait3A_276 = arith.constant 0 : i32
    %dma_wait3A_277 = arith.constant 0 : i32
    %dma_wait3A_278 = tpu.memref_slice %arg6[%dma_wait3A_274, %dma_wait3A_276, %dma_wait3A_277] : memref<4x80x128xf32, #tpu.memory_space<vmem>> -> memref<1x80x128xf32, #tpu.memory_space<vmem>>
    %dma_wait3A_279 = tpu.memref_squeeze %dma_wait3A_278 : memref<1x80x128xf32, #tpu.memory_space<vmem>> -> memref<80x128xf32, #tpu.memory_space<vmem>>
    %dma_wait3A_280 = arith.constant 0 : i32
    %dma_wait3A_281 = tpu.memref_slice %arg7[%dma_wait3A_275, %dma_wait3A_280] : memref<4x80xi32, #tpu.memory_space<vmem>> -> memref<1x80xi32, #tpu.memory_space<vmem>>
    %dma_wait3A_282 = tpu.memref_squeeze %dma_wait3A_281 : memref<1x80xi32, #tpu.memory_space<vmem>> -> memref<80xi32, #tpu.memory_space<vmem>>
    %dma_wait3A_283 = arith.constant 0 : i32
    %dma_wait3A_284 = arith.constant 0 : i32
    %dma_wait3A_285 = tpu.memref_slice %arg9[%dma_wait3A_283, %dma_wait3A_284] : memref<10000x128xf32, #tpu.memory_space<vmem_shared>> -> memref<10000x128xf32, #tpu.memory_space<vmem_shared>>
    tpu.wait_indirect_dma semaphore(%arg15 : memref<!tpu.dma_semaphore, #tpu.memory_space<semaphore_mem>>) src(%dma_wait3A_279 : memref<80x128xf32, #tpu.memory_space<vmem>>) dst(%dma_wait3A_285 : memref<10000x128xf32, #tpu.memory_space<vmem_shared>>)
    %dma_start3A_286 = arith.constant 2 : i32
    %dma_start3A_287 = arith.constant 2 : i32
    %dma_start3A_288 = arith.constant 0 : i32
    %dma_start3A_289 = arith.constant 0 : i32
    %dma_start3A_290 = tpu.memref_slice %arg6[%dma_start3A_286, %dma_start3A_288, %dma_start3A_289] : memref<4x80x128xf32, #tpu.memory_space<vmem>> -> memref<1x80x128xf32, #tpu.memory_space<vmem>>
    %dma_start3A_291 = tpu.memref_squeeze %dma_start3A_290 : memref<1x80x128xf32, #tpu.memory_space<vmem>> -> memref<80x128xf32, #tpu.memory_space<vmem>>
    %dma_start3A_292 = arith.constant 0 : i32
    %dma_start3A_293 = tpu.memref_slice %arg7[%dma_start3A_287, %dma_start3A_292] : memref<4x80xi32, #tpu.memory_space<vmem>> -> memref<1x80xi32, #tpu.memory_space<vmem>>
    %dma_start3A_294 = tpu.memref_squeeze %dma_start3A_293 : memref<1x80xi32, #tpu.memory_space<vmem>> -> memref<80xi32, #tpu.memory_space<vmem>>
    %dma_start3A_295 = arith.constant 0 : i32
    %dma_start3A_296 = arith.constant 0 : i32
    %dma_start3A_297 = tpu.memref_slice %arg9[%dma_start3A_295, %dma_start3A_296] : memref<10000x128xf32, #tpu.memory_space<vmem_shared>> -> memref<10000x128xf32, #tpu.memory_space<vmem_shared>>
    tpu.enqueue_indirect_dma source(%dma_start3A_291 : memref<80x128xf32, #tpu.memory_space<vmem>>) target(%dma_start3A_297 : memref<10000x128xf32, #tpu.memory_space<vmem_shared>>) offsets(%dma_start3A_294 : memref<80xi32, #tpu.memory_space<vmem>>) semaphore(%arg14 : memref<!tpu.dma_semaphore, #tpu.memory_space<semaphore_mem>>) {add = true}
    %add3A_298 = arith.constant 160 : i32
    %add3A_299 = arith.addi %add3A_298, %add3A : i32
    %mul3A_300 = arith.constant 80 : i32
    %mul3A_301 = arith.muli %add3A_299, %mul3A_300 : i32
    %dma_start3A_302 = arith.constant 1 : i32
    %dma_start3A_303 = arith.constant 0 : i32
    %dma_start3A_304 = arith.constant 0 : i32
    %dma_start3A_305 = tpu.memref_slice %arg6[%dma_start3A_302, %dma_start3A_303, %dma_start3A_304] : memref<4x80x128xf32, #tpu.memory_space<vmem>> -> memref<1x80x128xf32, #tpu.memory_space<vmem>>
    %dma_start3A_306 = tpu.memref_squeeze %dma_start3A_305 : memref<1x80x128xf32, #tpu.memory_space<vmem>> -> memref<80x128xf32, #tpu.memory_space<vmem>>
    %dma_start3A_307 = arith.constant 0 : i32
    %dma_start3A_308 = tpu.memref_slice %arg2[%mul3A_301, %dma_start3A_307] : memref<320000x128xf32, #tpu.memory_space<hbm>> -> memref<80x128xf32, #tpu.memory_space<hbm>>
    %dma_start3A_309 = arith.constant 0 : i32
    %dma_start3A_310 = arith.constant 0 : i32
    %dma_start3A_311 = tpu.memref_slice %arg6[%dma_start3A_302, %dma_start3A_309, %dma_start3A_310] : memref<4x80x128xf32, #tpu.memory_space<vmem>> -> memref<1x80x128xf32, #tpu.memory_space<vmem>>
    %dma_start3A_312 = tpu.memref_squeeze %dma_start3A_311 : memref<1x80x128xf32, #tpu.memory_space<vmem>> -> memref<80x128xf32, #tpu.memory_space<vmem>>
    %dma_start3A_313 = arith.constant 0 : i32
    %dma_start3A_314 = tpu.memref_slice %arg2[%mul3A_301, %dma_start3A_313] : memref<320000x128xf32, #tpu.memory_space<hbm>> -> memref<80x128xf32, #tpu.memory_space<hbm>>
    tpu.enqueue_dma source(%dma_start3A_314 : memref<80x128xf32, #tpu.memory_space<hbm>>) target(%dma_start3A_312 : memref<80x128xf32, #tpu.memory_space<vmem>>) target_semaphore(%arg11 : memref<!tpu.dma_semaphore, #tpu.memory_space<semaphore_mem>>)
    %dma_start3A_315 = arith.constant 1 : i32
    %dma_start3A_316 = arith.constant 0 : i32
    %dma_start3A_317 = tpu.memref_slice %arg7[%dma_start3A_315, %dma_start3A_316] : memref<4x80xi32, #tpu.memory_space<vmem>> -> memref<1x80xi32, #tpu.memory_space<vmem>>
    %dma_start3A_318 = tpu.memref_squeeze %dma_start3A_317 : memref<1x80xi32, #tpu.memory_space<vmem>> -> memref<80xi32, #tpu.memory_space<vmem>>
    %dma_start3A_319 = tpu.memref_slice %arg3[%mul3A_301] : memref<320000xi32, #tpu.memory_space<hbm>> -> memref<80xi32, #tpu.memory_space<hbm>>
    %dma_start3A_320 = arith.constant 0 : i32
    %dma_start3A_321 = tpu.memref_slice %arg7[%dma_start3A_315, %dma_start3A_320] : memref<4x80xi32, #tpu.memory_space<vmem>> -> memref<1x80xi32, #tpu.memory_space<vmem>>
    %dma_start3A_322 = tpu.memref_squeeze %dma_start3A_321 : memref<1x80xi32, #tpu.memory_space<vmem>> -> memref<80xi32, #tpu.memory_space<vmem>>
    %dma_start3A_323 = tpu.memref_slice %arg3[%mul3A_301] : memref<320000xi32, #tpu.memory_space<hbm>> -> memref<80xi32, #tpu.memory_space<hbm>>
    tpu.enqueue_dma source(%dma_start3A_323 : memref<80xi32, #tpu.memory_space<hbm>>) target(%dma_start3A_322 : memref<80xi32, #tpu.memory_space<vmem>>) target_semaphore(%arg11 : memref<!tpu.dma_semaphore, #tpu.memory_space<semaphore_mem>>)
    %add3A_324 = arith.constant 96 : i32
    %add3A_325 = arith.addi %add3A_324, %add3A : i32
    %mul3A_326 = arith.constant 80 : i32
    %mul3A_327 = arith.muli %add3A_325, %mul3A_326 : i32
    %dma_wait3A_328 = arith.constant 3 : i32
    %dma_wait3A_329 = arith.constant 0 : i32
    %dma_wait3A_330 = arith.constant 0 : i32
    %dma_wait3A_331 = tpu.memref_slice %arg6[%dma_wait3A_328, %dma_wait3A_329, %dma_wait3A_330] : memref<4x80x128xf32, #tpu.memory_space<vmem>> -> memref<1x80x128xf32, #tpu.memory_space<vmem>>
    %dma_wait3A_332 = tpu.memref_squeeze %dma_wait3A_331 : memref<1x80x128xf32, #tpu.memory_space<vmem>> -> memref<80x128xf32, #tpu.memory_space<vmem>>
    %dma_wait3A_333 = arith.constant 0 : i32
    %dma_wait3A_334 = tpu.memref_slice %arg2[%mul3A_327, %dma_wait3A_333] : memref<320000x128xf32, #tpu.memory_space<hbm>> -> memref<80x128xf32, #tpu.memory_space<hbm>>
    %dma_wait3A_335 = arith.constant 0 : i32
    %dma_wait3A_336 = arith.constant 0 : i32
    %dma_wait3A_337 = tpu.memref_slice %arg6[%dma_wait3A_328, %dma_wait3A_335, %dma_wait3A_336] : memref<4x80x128xf32, #tpu.memory_space<vmem>> -> memref<1x80x128xf32, #tpu.memory_space<vmem>>
    %dma_wait3A_338 = tpu.memref_squeeze %dma_wait3A_337 : memref<1x80x128xf32, #tpu.memory_space<vmem>> -> memref<80x128xf32, #tpu.memory_space<vmem>>
    %dma_wait3A_339 = arith.constant 0 : i32
    %dma_wait3A_340 = tpu.memref_slice %arg2[%mul3A_327, %dma_wait3A_339] : memref<320000x128xf32, #tpu.memory_space<hbm>> -> memref<80x128xf32, #tpu.memory_space<hbm>>
    tpu.wait_dma2 semaphore(%arg13 : memref<!tpu.dma_semaphore, #tpu.memory_space<semaphore_mem>>) src(%dma_wait3A_340 : memref<80x128xf32, #tpu.memory_space<hbm>>) dst(%dma_wait3A_338 : memref<80x128xf32, #tpu.memory_space<vmem>>)
    %dma_wait3A_341 = arith.constant 3 : i32
    %dma_wait3A_342 = arith.constant 0 : i32
    %dma_wait3A_343 = tpu.memref_slice %arg7[%dma_wait3A_341, %dma_wait3A_342] : memref<4x80xi32, #tpu.memory_space<vmem>> -> memref<1x80xi32, #tpu.memory_space<vmem>>
    %dma_wait3A_344 = tpu.memref_squeeze %dma_wait3A_343 : memref<1x80xi32, #tpu.memory_space<vmem>> -> memref<80xi32, #tpu.memory_space<vmem>>
    %dma_wait3A_345 = tpu.memref_slice %arg3[%mul3A_327] : memref<320000xi32, #tpu.memory_space<hbm>> -> memref<80xi32, #tpu.memory_space<hbm>>
    %dma_wait3A_346 = arith.constant 0 : i32
    %dma_wait3A_347 = tpu.memref_slice %arg7[%dma_wait3A_341, %dma_wait3A_346] : memref<4x80xi32, #tpu.memory_space<vmem>> -> memref<1x80xi32, #tpu.memory_space<vmem>>
    %dma_wait3A_348 = tpu.memref_squeeze %dma_wait3A_347 : memref<1x80xi32, #tpu.memory_space<vmem>> -> memref<80xi32, #tpu.memory_space<vmem>>
    %dma_wait3A_349 = tpu.memref_slice %arg3[%mul3A_327] : memref<320000xi32, #tpu.memory_space<hbm>> -> memref<80xi32, #tpu.memory_space<hbm>>
    tpu.wait_dma2 semaphore(%arg13 : memref<!tpu.dma_semaphore, #tpu.memory_space<semaphore_mem>>) src(%dma_wait3A_349 : memref<80xi32, #tpu.memory_space<hbm>>) dst(%dma_wait3A_348 : memref<80xi32, #tpu.memory_space<vmem>>)
    %dma_wait3A_350 = arith.constant 2 : i32
    %dma_wait3A_351 = arith.constant 2 : i32
    %dma_wait3A_352 = arith.constant 0 : i32
    %dma_wait3A_353 = arith.constant 0 : i32
    %dma_wait3A_354 = tpu.memref_slice %arg6[%dma_wait3A_350, %dma_wait3A_352, %dma_wait3A_353] : memref<4x80x128xf32, #tpu.memory_space<vmem>> -> memref<1x80x128xf32, #tpu.memory_space<vmem>>
    %dma_wait3A_355 = tpu.memref_squeeze %dma_wait3A_354 : memref<1x80x128xf32, #tpu.memory_space<vmem>> -> memref<80x128xf32, #tpu.memory_space<vmem>>
    %dma_wait3A_356 = arith.constant 0 : i32
    %dma_wait3A_357 = tpu.memref_slice %arg7[%dma_wait3A_351, %dma_wait3A_356] : memref<4x80xi32, #tpu.memory_space<vmem>> -> memref<1x80xi32, #tpu.memory_space<vmem>>
    %dma_wait3A_358 = tpu.memref_squeeze %dma_wait3A_357 : memref<1x80xi32, #tpu.memory_space<vmem>> -> memref<80xi32, #tpu.memory_space<vmem>>
    %dma_wait3A_359 = arith.constant 0 : i32
    %dma_wait3A_360 = arith.constant 0 : i32
    %dma_wait3A_361 = tpu.memref_slice %arg9[%dma_wait3A_359, %dma_wait3A_360] : memref<10000x128xf32, #tpu.memory_space<vmem_shared>> -> memref<10000x128xf32, #tpu.memory_space<vmem_shared>>
    tpu.wait_indirect_dma semaphore(%arg14 : memref<!tpu.dma_semaphore, #tpu.memory_space<semaphore_mem>>) src(%dma_wait3A_355 : memref<80x128xf32, #tpu.memory_space<vmem>>) dst(%dma_wait3A_361 : memref<10000x128xf32, #tpu.memory_space<vmem_shared>>)
    %dma_start3A_362 = arith.constant 3 : i32
    %dma_start3A_363 = arith.constant 3 : i32
    %dma_start3A_364 = arith.constant 0 : i32
    %dma_start3A_365 = arith.constant 0 : i32
    %dma_start3A_366 = tpu.memref_slice %arg6[%dma_start3A_362, %dma_start3A_364, %dma_start3A_365] : memref<4x80x128xf32, #tpu.memory_space<vmem>> -> memref<1x80x128xf32, #tpu.memory_space<vmem>>
    %dma_start3A_367 = tpu.memref_squeeze %dma_start3A_366 : memref<1x80x128xf32, #tpu.memory_space<vmem>> -> memref<80x128xf32, #tpu.memory_space<vmem>>
    %dma_start3A_368 = arith.constant 0 : i32
    %dma_start3A_369 = tpu.memref_slice %arg7[%dma_start3A_363, %dma_start3A_368] : memref<4x80xi32, #tpu.memory_space<vmem>> -> memref<1x80xi32, #tpu.memory_space<vmem>>
    %dma_start3A_370 = tpu.memref_squeeze %dma_start3A_369 : memref<1x80xi32, #tpu.memory_space<vmem>> -> memref<80xi32, #tpu.memory_space<vmem>>
    %dma_start3A_371 = arith.constant 0 : i32
    %dma_start3A_372 = arith.constant 0 : i32
    %dma_start3A_373 = tpu.memref_slice %arg9[%dma_start3A_371, %dma_start3A_372] : memref<10000x128xf32, #tpu.memory_space<vmem_shared>> -> memref<10000x128xf32, #tpu.memory_space<vmem_shared>>
    tpu.enqueue_indirect_dma source(%dma_start3A_367 : memref<80x128xf32, #tpu.memory_space<vmem>>) target(%dma_start3A_373 : memref<10000x128xf32, #tpu.memory_space<vmem_shared>>) offsets(%dma_start3A_370 : memref<80xi32, #tpu.memory_space<vmem>>) semaphore(%arg15 : memref<!tpu.dma_semaphore, #tpu.memory_space<semaphore_mem>>) {add = true}
    %add3A_374 = arith.constant 192 : i32
    %add3A_375 = arith.addi %add3A_374, %add3A : i32
    %mul3A_376 = arith.constant 80 : i32
    %mul3A_377 = arith.muli %add3A_375, %mul3A_376 : i32
    %dma_start3A_378 = arith.constant 2 : i32
    %dma_start3A_379 = arith.constant 0 : i32
    %dma_start3A_380 = arith.constant 0 : i32
    %dma_start3A_381 = tpu.memref_slice %arg6[%dma_start3A_378, %dma_start3A_379, %dma_start3A_380] : memref<4x80x128xf32, #tpu.memory_space<vmem>> -> memref<1x80x128xf32, #tpu.memory_space<vmem>>
    %dma_start3A_382 = tpu.memref_squeeze %dma_start3A_381 : memref<1x80x128xf32, #tpu.memory_space<vmem>> -> memref<80x128xf32, #tpu.memory_space<vmem>>
    %dma_start3A_383 = arith.constant 0 : i32
    %dma_start3A_384 = tpu.memref_slice %arg2[%mul3A_377, %dma_start3A_383] : memref<320000x128xf32, #tpu.memory_space<hbm>> -> memref<80x128xf32, #tpu.memory_space<hbm>>
    %dma_start3A_385 = arith.constant 0 : i32
    %dma_start3A_386 = arith.constant 0 : i32
    %dma_start3A_387 = tpu.memref_slice %arg6[%dma_start3A_378, %dma_start3A_385, %dma_start3A_386] : memref<4x80x128xf32, #tpu.memory_space<vmem>> -> memref<1x80x128xf32, #tpu.memory_space<vmem>>
    %dma_start3A_388 = tpu.memref_squeeze %dma_start3A_387 : memref<1x80x128xf32, #tpu.memory_space<vmem>> -> memref<80x128xf32, #tpu.memory_space<vmem>>
    %dma_start3A_389 = arith.constant 0 : i32
    %dma_start3A_390 = tpu.memref_slice %arg2[%mul3A_377, %dma_start3A_389] : memref<320000x128xf32, #tpu.memory_space<hbm>> -> memref<80x128xf32, #tpu.memory_space<hbm>>
    tpu.enqueue_dma source(%dma_start3A_390 : memref<80x128xf32, #tpu.memory_space<hbm>>) target(%dma_start3A_388 : memref<80x128xf32, #tpu.memory_space<vmem>>) target_semaphore(%arg12 : memref<!tpu.dma_semaphore, #tpu.memory_space<semaphore_mem>>)
    %dma_start3A_391 = arith.constant 2 : i32
    %dma_start3A_392 = arith.constant 0 : i32
    %dma_start3A_393 = tpu.memref_slice %arg7[%dma_start3A_391, %dma_start3A_392] : memref<4x80xi32, #tpu.memory_space<vmem>> -> memref<1x80xi32, #tpu.memory_space<vmem>>
    %dma_start3A_394 = tpu.memref_squeeze %dma_start3A_393 : memref<1x80xi32, #tpu.memory_space<vmem>> -> memref<80xi32, #tpu.memory_space<vmem>>
    %dma_start3A_395 = tpu.memref_slice %arg3[%mul3A_377] : memref<320000xi32, #tpu.memory_space<hbm>> -> memref<80xi32, #tpu.memory_space<hbm>>
    %dma_start3A_396 = arith.constant 0 : i32
    %dma_start3A_397 = tpu.memref_slice %arg7[%dma_start3A_391, %dma_start3A_396] : memref<4x80xi32, #tpu.memory_space<vmem>> -> memref<1x80xi32, #tpu.memory_space<vmem>>
    %dma_start3A_398 = tpu.memref_squeeze %dma_start3A_397 : memref<1x80xi32, #tpu.memory_space<vmem>> -> memref<80xi32, #tpu.memory_space<vmem>>
    %dma_start3A_399 = tpu.memref_slice %arg3[%mul3A_377] : memref<320000xi32, #tpu.memory_space<hbm>> -> memref<80xi32, #tpu.memory_space<hbm>>
    tpu.enqueue_dma source(%dma_start3A_399 : memref<80xi32, #tpu.memory_space<hbm>>) target(%dma_start3A_398 : memref<80xi32, #tpu.memory_space<vmem>>) target_semaphore(%arg12 : memref<!tpu.dma_semaphore, #tpu.memory_space<semaphore_mem>>)
    %scan3A_400 = arith.constant 0 : i32
    %scan3A_401 = arith.constant 1 : i32
    %scan3A_402 = arith.constant 29 : i32
    %scan3A_403 = arith.addi %scan3A_401, %scan3A_402 : i32
    %scan3A_404 = arith.constant 1 : i32
    scf.for %scan3A_749 = %scan3A_401 to %scan3A_403 step %scan3A_404  : i32 {
      %mul3A_750 = arith.constant 4 : i32
      %mul3A_751 = arith.muli %mul3A_750, %scan3A_749 : i32
      %add3A_752 = arith.constant 0 : i32
      %add3A_753 = arith.addi %mul3A_751, %add3A_752 : i32
      %mul3A_754 = arith.constant 32 : i32
      %mul3A_755 = arith.muli %add3A_753, %mul3A_754 : i32
      %add3A_756 = arith.addi %mul3A_755, %add3A : i32
      %mul3A_757 = arith.constant 80 : i32
      %mul3A_758 = arith.muli %add3A_756, %mul3A_757 : i32
      %dma_wait3A_759 = arith.constant 0 : i32
      %dma_wait3A_760 = arith.constant 0 : i32
      %dma_wait3A_761 = arith.constant 0 : i32
      %dma_wait3A_762 = tpu.memref_slice %arg6[%dma_wait3A_759, %dma_wait3A_760, %dma_wait3A_761] : memref<4x80x128xf32, #tpu.memory_space<vmem>> -> memref<1x80x128xf32, #tpu.memory_space<vmem>>
      %dma_wait3A_763 = tpu.memref_squeeze %dma_wait3A_762 : memref<1x80x128xf32, #tpu.memory_space<vmem>> -> memref<80x128xf32, #tpu.memory_space<vmem>>
      %dma_wait3A_764 = arith.constant 0 : i32
      %dma_wait3A_765 = tpu.memref_slice %arg2[%mul3A_758, %dma_wait3A_764] : memref<320000x128xf32, #tpu.memory_space<hbm>> -> memref<80x128xf32, #tpu.memory_space<hbm>>
      %dma_wait3A_766 = arith.constant 0 : i32
      %dma_wait3A_767 = arith.constant 0 : i32
      %dma_wait3A_768 = tpu.memref_slice %arg6[%dma_wait3A_759, %dma_wait3A_766, %dma_wait3A_767] : memref<4x80x128xf32, #tpu.memory_space<vmem>> -> memref<1x80x128xf32, #tpu.memory_space<vmem>>
      %dma_wait3A_769 = tpu.memref_squeeze %dma_wait3A_768 : memref<1x80x128xf32, #tpu.memory_space<vmem>> -> memref<80x128xf32, #tpu.memory_space<vmem>>
      %dma_wait3A_770 = arith.constant 0 : i32
      %dma_wait3A_771 = tpu.memref_slice %arg2[%mul3A_758, %dma_wait3A_770] : memref<320000x128xf32, #tpu.memory_space<hbm>> -> memref<80x128xf32, #tpu.memory_space<hbm>>
      tpu.wait_dma2 semaphore(%arg10 : memref<!tpu.dma_semaphore, #tpu.memory_space<semaphore_mem>>) src(%dma_wait3A_771 : memref<80x128xf32, #tpu.memory_space<hbm>>) dst(%dma_wait3A_769 : memref<80x128xf32, #tpu.memory_space<vmem>>)
      %dma_wait3A_772 = arith.constant 0 : i32
      %dma_wait3A_773 = arith.constant 0 : i32
      %dma_wait3A_774 = tpu.memref_slice %arg7[%dma_wait3A_772, %dma_wait3A_773] : memref<4x80xi32, #tpu.memory_space<vmem>> -> memref<1x80xi32, #tpu.memory_space<vmem>>
      %dma_wait3A_775 = tpu.memref_squeeze %dma_wait3A_774 : memref<1x80xi32, #tpu.memory_space<vmem>> -> memref<80xi32, #tpu.memory_space<vmem>>
      %dma_wait3A_776 = tpu.memref_slice %arg3[%mul3A_758] : memref<320000xi32, #tpu.memory_space<hbm>> -> memref<80xi32, #tpu.memory_space<hbm>>
      %dma_wait3A_777 = arith.constant 0 : i32
      %dma_wait3A_778 = tpu.memref_slice %arg7[%dma_wait3A_772, %dma_wait3A_777] : memref<4x80xi32, #tpu.memory_space<vmem>> -> memref<1x80xi32, #tpu.memory_space<vmem>>
      %dma_wait3A_779 = tpu.memref_squeeze %dma_wait3A_778 : memref<1x80xi32, #tpu.memory_space<vmem>> -> memref<80xi32, #tpu.memory_space<vmem>>
      %dma_wait3A_780 = tpu.memref_slice %arg3[%mul3A_758] : memref<320000xi32, #tpu.memory_space<hbm>> -> memref<80xi32, #tpu.memory_space<hbm>>
      tpu.wait_dma2 semaphore(%arg10 : memref<!tpu.dma_semaphore, #tpu.memory_space<semaphore_mem>>) src(%dma_wait3A_780 : memref<80xi32, #tpu.memory_space<hbm>>) dst(%dma_wait3A_779 : memref<80xi32, #tpu.memory_space<vmem>>)
      %dma_wait3A_781 = arith.constant 3 : i32
      %dma_wait3A_782 = arith.constant 3 : i32
      %dma_wait3A_783 = arith.constant 0 : i32
      %dma_wait3A_784 = arith.constant 0 : i32
      %dma_wait3A_785 = tpu.memref_slice %arg6[%dma_wait3A_781, %dma_wait3A_783, %dma_wait3A_784] : memref<4x80x128xf32, #tpu.memory_space<vmem>> -> memref<1x80x128xf32, #tpu.memory_space<vmem>>
      %dma_wait3A_786 = tpu.memref_squeeze %dma_wait3A_785 : memref<1x80x128xf32, #tpu.memory_space<vmem>> -> memref<80x128xf32, #tpu.memory_space<vmem>>
      %dma_wait3A_787 = arith.constant 0 : i32
      %dma_wait3A_788 = tpu.memref_slice %arg7[%dma_wait3A_782, %dma_wait3A_787] : memref<4x80xi32, #tpu.memory_space<vmem>> -> memref<1x80xi32, #tpu.memory_space<vmem>>
      %dma_wait3A_789 = tpu.memref_squeeze %dma_wait3A_788 : memref<1x80xi32, #tpu.memory_space<vmem>> -> memref<80xi32, #tpu.memory_space<vmem>>
      %dma_wait3A_790 = arith.constant 0 : i32
      %dma_wait3A_791 = arith.constant 0 : i32
      %dma_wait3A_792 = tpu.memref_slice %arg9[%dma_wait3A_790, %dma_wait3A_791] : memref<10000x128xf32, #tpu.memory_space<vmem_shared>> -> memref<10000x128xf32, #tpu.memory_space<vmem_shared>>
      tpu.wait_indirect_dma semaphore(%arg15 : memref<!tpu.dma_semaphore, #tpu.memory_space<semaphore_mem>>) src(%dma_wait3A_786 : memref<80x128xf32, #tpu.memory_space<vmem>>) dst(%dma_wait3A_792 : memref<10000x128xf32, #tpu.memory_space<vmem_shared>>)
      %dma_start3A_793 = arith.constant 0 : i32
      %dma_start3A_794 = arith.constant 0 : i32
      %dma_start3A_795 = arith.constant 0 : i32
      %dma_start3A_796 = arith.constant 0 : i32
      %dma_start3A_797 = tpu.memref_slice %arg6[%dma_start3A_793, %dma_start3A_795, %dma_start3A_796] : memref<4x80x128xf32, #tpu.memory_space<vmem>> -> memref<1x80x128xf32, #tpu.memory_space<vmem>>
      %dma_start3A_798 = tpu.memref_squeeze %dma_start3A_797 : memref<1x80x128xf32, #tpu.memory_space<vmem>> -> memref<80x128xf32, #tpu.memory_space<vmem>>
      %dma_start3A_799 = arith.constant 0 : i32
      %dma_start3A_800 = tpu.memref_slice %arg7[%dma_start3A_794, %dma_start3A_799] : memref<4x80xi32, #tpu.memory_space<vmem>> -> memref<1x80xi32, #tpu.memory_space<vmem>>
      %dma_start3A_801 = tpu.memref_squeeze %dma_start3A_800 : memref<1x80xi32, #tpu.memory_space<vmem>> -> memref<80xi32, #tpu.memory_space<vmem>>
      %dma_start3A_802 = arith.constant 0 : i32
      %dma_start3A_803 = arith.constant 0 : i32
      %dma_start3A_804 = tpu.memref_slice %arg9[%dma_start3A_802, %dma_start3A_803] : memref<10000x128xf32, #tpu.memory_space<vmem_shared>> -> memref<10000x128xf32, #tpu.memory_space<vmem_shared>>
      tpu.enqueue_indirect_dma source(%dma_start3A_798 : memref<80x128xf32, #tpu.memory_space<vmem>>) target(%dma_start3A_804 : memref<10000x128xf32, #tpu.memory_space<vmem_shared>>) offsets(%dma_start3A_801 : memref<80xi32, #tpu.memory_space<vmem>>) semaphore(%arg14 : memref<!tpu.dma_semaphore, #tpu.memory_space<semaphore_mem>>) {add = true}
      %add3A_805 = arith.constant 3 : i32
      %add3A_806 = arith.addi %add3A_753, %add3A_805 : i32
      %mul3A_807 = arith.constant 32 : i32
      %mul3A_808 = arith.muli %add3A_806, %mul3A_807 : i32
      %add3A_809 = arith.addi %mul3A_808, %add3A : i32
      %mul3A_810 = arith.constant 80 : i32
      %mul3A_811 = arith.muli %add3A_809, %mul3A_810 : i32
      %dma_start3A_812 = arith.constant 3 : i32
      %dma_start3A_813 = arith.constant 0 : i32
      %dma_start3A_814 = arith.constant 0 : i32
      %dma_start3A_815 = tpu.memref_slice %arg6[%dma_start3A_812, %dma_start3A_813, %dma_start3A_814] : memref<4x80x128xf32, #tpu.memory_space<vmem>> -> memref<1x80x128xf32, #tpu.memory_space<vmem>>
      %dma_start3A_816 = tpu.memref_squeeze %dma_start3A_815 : memref<1x80x128xf32, #tpu.memory_space<vmem>> -> memref<80x128xf32, #tpu.memory_space<vmem>>
      %dma_start3A_817 = arith.constant 0 : i32
      %dma_start3A_818 = tpu.memref_slice %arg2[%mul3A_811, %dma_start3A_817] : memref<320000x128xf32, #tpu.memory_space<hbm>> -> memref<80x128xf32, #tpu.memory_space<hbm>>
      %dma_start3A_819 = arith.constant 0 : i32
      %dma_start3A_820 = arith.constant 0 : i32
      %dma_start3A_821 = tpu.memref_slice %arg6[%dma_start3A_812, %dma_start3A_819, %dma_start3A_820] : memref<4x80x128xf32, #tpu.memory_space<vmem>> -> memref<1x80x128xf32, #tpu.memory_space<vmem>>
      %dma_start3A_822 = tpu.memref_squeeze %dma_start3A_821 : memref<1x80x128xf32, #tpu.memory_space<vmem>> -> memref<80x128xf32, #tpu.memory_space<vmem>>
      %dma_start3A_823 = arith.constant 0 : i32
      %dma_start3A_824 = tpu.memref_slice %arg2[%mul3A_811, %dma_start3A_823] : memref<320000x128xf32, #tpu.memory_space<hbm>> -> memref<80x128xf32, #tpu.memory_space<hbm>>
      tpu.enqueue_dma source(%dma_start3A_824 : memref<80x128xf32, #tpu.memory_space<hbm>>) target(%dma_start3A_822 : memref<80x128xf32, #tpu.memory_space<vmem>>) target_semaphore(%arg13 : memref<!tpu.dma_semaphore, #tpu.memory_space<semaphore_mem>>)
      %dma_start3A_825 = arith.constant 3 : i32
      %dma_start3A_826 = arith.constant 0 : i32
      %dma_start3A_827 = tpu.memref_slice %arg7[%dma_start3A_825, %dma_start3A_826] : memref<4x80xi32, #tpu.memory_space<vmem>> -> memref<1x80xi32, #tpu.memory_space<vmem>>
      %dma_start3A_828 = tpu.memref_squeeze %dma_start3A_827 : memref<1x80xi32, #tpu.memory_space<vmem>> -> memref<80xi32, #tpu.memory_space<vmem>>
      %dma_start3A_829 = tpu.memref_slice %arg3[%mul3A_811] : memref<320000xi32, #tpu.memory_space<hbm>> -> memref<80xi32, #tpu.memory_space<hbm>>
      %dma_start3A_830 = arith.constant 0 : i32
      %dma_start3A_831 = tpu.memref_slice %arg7[%dma_start3A_825, %dma_start3A_830] : memref<4x80xi32, #tpu.memory_space<vmem>> -> memref<1x80xi32, #tpu.memory_space<vmem>>
      %dma_start3A_832 = tpu.memref_squeeze %dma_start3A_831 : memref<1x80xi32, #tpu.memory_space<vmem>> -> memref<80xi32, #tpu.memory_space<vmem>>
      %dma_start3A_833 = tpu.memref_slice %arg3[%mul3A_811] : memref<320000xi32, #tpu.memory_space<hbm>> -> memref<80xi32, #tpu.memory_space<hbm>>
      tpu.enqueue_dma source(%dma_start3A_833 : memref<80xi32, #tpu.memory_space<hbm>>) target(%dma_start3A_832 : memref<80xi32, #tpu.memory_space<vmem>>) target_semaphore(%arg13 : memref<!tpu.dma_semaphore, #tpu.memory_space<semaphore_mem>>)
      %add3A_834 = arith.constant 1 : i32
      %add3A_835 = arith.addi %mul3A_751, %add3A_834 : i32
      %mul3A_836 = arith.constant 32 : i32
      %mul3A_837 = arith.muli %add3A_835, %mul3A_836 : i32
      %add3A_838 = arith.addi %mul3A_837, %add3A : i32
      %mul3A_839 = arith.constant 80 : i32
      %mul3A_840 = arith.muli %add3A_838, %mul3A_839 : i32
      %dma_wait3A_841 = arith.constant 1 : i32
      %dma_wait3A_842 = arith.constant 0 : i32
      %dma_wait3A_843 = arith.constant 0 : i32
      %dma_wait3A_844 = tpu.memref_slice %arg6[%dma_wait3A_841, %dma_wait3A_842, %dma_wait3A_843] : memref<4x80x128xf32, #tpu.memory_space<vmem>> -> memref<1x80x128xf32, #tpu.memory_space<vmem>>
      %dma_wait3A_845 = tpu.memref_squeeze %dma_wait3A_844 : memref<1x80x128xf32, #tpu.memory_space<vmem>> -> memref<80x128xf32, #tpu.memory_space<vmem>>
      %dma_wait3A_846 = arith.constant 0 : i32
      %dma_wait3A_847 = tpu.memref_slice %arg2[%mul3A_840, %dma_wait3A_846] : memref<320000x128xf32, #tpu.memory_space<hbm>> -> memref<80x128xf32, #tpu.memory_space<hbm>>
      %dma_wait3A_848 = arith.constant 0 : i32
      %dma_wait3A_849 = arith.constant 0 : i32
      %dma_wait3A_850 = tpu.memref_slice %arg6[%dma_wait3A_841, %dma_wait3A_848, %dma_wait3A_849] : memref<4x80x128xf32, #tpu.memory_space<vmem>> -> memref<1x80x128xf32, #tpu.memory_space<vmem>>
      %dma_wait3A_851 = tpu.memref_squeeze %dma_wait3A_850 : memref<1x80x128xf32, #tpu.memory_space<vmem>> -> memref<80x128xf32, #tpu.memory_space<vmem>>
      %dma_wait3A_852 = arith.constant 0 : i32
      %dma_wait3A_853 = tpu.memref_slice %arg2[%mul3A_840, %dma_wait3A_852] : memref<320000x128xf32, #tpu.memory_space<hbm>> -> memref<80x128xf32, #tpu.memory_space<hbm>>
      tpu.wait_dma2 semaphore(%arg11 : memref<!tpu.dma_semaphore, #tpu.memory_space<semaphore_mem>>) src(%dma_wait3A_853 : memref<80x128xf32, #tpu.memory_space<hbm>>) dst(%dma_wait3A_851 : memref<80x128xf32, #tpu.memory_space<vmem>>)
      %dma_wait3A_854 = arith.constant 1 : i32
      %dma_wait3A_855 = arith.constant 0 : i32
      %dma_wait3A_856 = tpu.memref_slice %arg7[%dma_wait3A_854, %dma_wait3A_855] : memref<4x80xi32, #tpu.memory_space<vmem>> -> memref<1x80xi32, #tpu.memory_space<vmem>>
      %dma_wait3A_857 = tpu.memref_squeeze %dma_wait3A_856 : memref<1x80xi32, #tpu.memory_space<vmem>> -> memref<80xi32, #tpu.memory_space<vmem>>
      %dma_wait3A_858 = tpu.memref_slice %arg3[%mul3A_840] : memref<320000xi32, #tpu.memory_space<hbm>> -> memref<80xi32, #tpu.memory_space<hbm>>
      %dma_wait3A_859 = arith.constant 0 : i32
      %dma_wait3A_860 = tpu.memref_slice %arg7[%dma_wait3A_854, %dma_wait3A_859] : memref<4x80xi32, #tpu.memory_space<vmem>> -> memref<1x80xi32, #tpu.memory_space<vmem>>
      %dma_wait3A_861 = tpu.memref_squeeze %dma_wait3A_860 : memref<1x80xi32, #tpu.memory_space<vmem>> -> memref<80xi32, #tpu.memory_space<vmem>>
      %dma_wait3A_862 = tpu.memref_slice %arg3[%mul3A_840] : memref<320000xi32, #tpu.memory_space<hbm>> -> memref<80xi32, #tpu.memory_space<hbm>>
      tpu.wait_dma2 semaphore(%arg11 : memref<!tpu.dma_semaphore, #tpu.memory_space<semaphore_mem>>) src(%dma_wait3A_862 : memref<80xi32, #tpu.memory_space<hbm>>) dst(%dma_wait3A_861 : memref<80xi32, #tpu.memory_space<vmem>>)
      %dma_wait3A_863 = arith.constant 0 : i32
      %dma_wait3A_864 = arith.constant 0 : i32
      %dma_wait3A_865 = arith.constant 0 : i32
      %dma_wait3A_866 = arith.constant 0 : i32
      %dma_wait3A_867 = tpu.memref_slice %arg6[%dma_wait3A_863, %dma_wait3A_865, %dma_wait3A_866] : memref<4x80x128xf32, #tpu.memory_space<vmem>> -> memref<1x80x128xf32, #tpu.memory_space<vmem>>
      %dma_wait3A_868 = tpu.memref_squeeze %dma_wait3A_867 : memref<1x80x128xf32, #tpu.memory_space<vmem>> -> memref<80x128xf32, #tpu.memory_space<vmem>>
      %dma_wait3A_869 = arith.constant 0 : i32
      %dma_wait3A_870 = tpu.memref_slice %arg7[%dma_wait3A_864, %dma_wait3A_869] : memref<4x80xi32, #tpu.memory_space<vmem>> -> memref<1x80xi32, #tpu.memory_space<vmem>>
      %dma_wait3A_871 = tpu.memref_squeeze %dma_wait3A_870 : memref<1x80xi32, #tpu.memory_space<vmem>> -> memref<80xi32, #tpu.memory_space<vmem>>
      %dma_wait3A_872 = arith.constant 0 : i32
      %dma_wait3A_873 = arith.constant 0 : i32
      %dma_wait3A_874 = tpu.memref_slice %arg9[%dma_wait3A_872, %dma_wait3A_873] : memref<10000x128xf32, #tpu.memory_space<vmem_shared>> -> memref<10000x128xf32, #tpu.memory_space<vmem_shared>>
      tpu.wait_indirect_dma semaphore(%arg14 : memref<!tpu.dma_semaphore, #tpu.memory_space<semaphore_mem>>) src(%dma_wait3A_868 : memref<80x128xf32, #tpu.memory_space<vmem>>) dst(%dma_wait3A_874 : memref<10000x128xf32, #tpu.memory_space<vmem_shared>>)
      %dma_start3A_875 = arith.constant 1 : i32
      %dma_start3A_876 = arith.constant 1 : i32
      %dma_start3A_877 = arith.constant 0 : i32
      %dma_start3A_878 = arith.constant 0 : i32
      %dma_start3A_879 = tpu.memref_slice %arg6[%dma_start3A_875, %dma_start3A_877, %dma_start3A_878] : memref<4x80x128xf32, #tpu.memory_space<vmem>> -> memref<1x80x128xf32, #tpu.memory_space<vmem>>
      %dma_start3A_880 = tpu.memref_squeeze %dma_start3A_879 : memref<1x80x128xf32, #tpu.memory_space<vmem>> -> memref<80x128xf32, #tpu.memory_space<vmem>>
      %dma_start3A_881 = arith.constant 0 : i32
      %dma_start3A_882 = tpu.memref_slice %arg7[%dma_start3A_876, %dma_start3A_881] : memref<4x80xi32, #tpu.memory_space<vmem>> -> memref<1x80xi32, #tpu.memory_space<vmem>>
      %dma_start3A_883 = tpu.memref_squeeze %dma_start3A_882 : memref<1x80xi32, #tpu.memory_space<vmem>> -> memref<80xi32, #tpu.memory_space<vmem>>
      %dma_start3A_884 = arith.constant 0 : i32
      %dma_start3A_885 = arith.constant 0 : i32
      %dma_start3A_886 = tpu.memref_slice %arg9[%dma_start3A_884, %dma_start3A_885] : memref<10000x128xf32, #tpu.memory_space<vmem_shared>> -> memref<10000x128xf32, #tpu.memory_space<vmem_shared>>
      tpu.enqueue_indirect_dma source(%dma_start3A_880 : memref<80x128xf32, #tpu.memory_space<vmem>>) target(%dma_start3A_886 : memref<10000x128xf32, #tpu.memory_space<vmem_shared>>) offsets(%dma_start3A_883 : memref<80xi32, #tpu.memory_space<vmem>>) semaphore(%arg15 : memref<!tpu.dma_semaphore, #tpu.memory_space<semaphore_mem>>) {add = true}
      %add3A_887 = arith.constant 3 : i32
      %add3A_888 = arith.addi %add3A_835, %add3A_887 : i32
      %mul3A_889 = arith.constant 32 : i32
      %mul3A_890 = arith.muli %add3A_888, %mul3A_889 : i32
      %add3A_891 = arith.addi %mul3A_890, %add3A : i32
      %mul3A_892 = arith.constant 80 : i32
      %mul3A_893 = arith.muli %add3A_891, %mul3A_892 : i32
      %dma_start3A_894 = arith.constant 0 : i32
      %dma_start3A_895 = arith.constant 0 : i32
      %dma_start3A_896 = arith.constant 0 : i32
      %dma_start3A_897 = tpu.memref_slice %arg6[%dma_start3A_894, %dma_start3A_895, %dma_start3A_896] : memref<4x80x128xf32, #tpu.memory_space<vmem>> -> memref<1x80x128xf32, #tpu.memory_space<vmem>>
      %dma_start3A_898 = tpu.memref_squeeze %dma_start3A_897 : memref<1x80x128xf32, #tpu.memory_space<vmem>> -> memref<80x128xf32, #tpu.memory_space<vmem>>
      %dma_start3A_899 = arith.constant 0 : i32
      %dma_start3A_900 = tpu.memref_slice %arg2[%mul3A_893, %dma_start3A_899] : memref<320000x128xf32, #tpu.memory_space<hbm>> -> memref<80x128xf32, #tpu.memory_space<hbm>>
      %dma_start3A_901 = arith.constant 0 : i32
      %dma_start3A_902 = arith.constant 0 : i32
      %dma_start3A_903 = tpu.memref_slice %arg6[%dma_start3A_894, %dma_start3A_901, %dma_start3A_902] : memref<4x80x128xf32, #tpu.memory_space<vmem>> -> memref<1x80x128xf32, #tpu.memory_space<vmem>>
      %dma_start3A_904 = tpu.memref_squeeze %dma_start3A_903 : memref<1x80x128xf32, #tpu.memory_space<vmem>> -> memref<80x128xf32, #tpu.memory_space<vmem>>
      %dma_start3A_905 = arith.constant 0 : i32
      %dma_start3A_906 = tpu.memref_slice %arg2[%mul3A_893, %dma_start3A_905] : memref<320000x128xf32, #tpu.memory_space<hbm>> -> memref<80x128xf32, #tpu.memory_space<hbm>>
      tpu.enqueue_dma source(%dma_start3A_906 : memref<80x128xf32, #tpu.memory_space<hbm>>) target(%dma_start3A_904 : memref<80x128xf32, #tpu.memory_space<vmem>>) target_semaphore(%arg10 : memref<!tpu.dma_semaphore, #tpu.memory_space<semaphore_mem>>)
      %dma_start3A_907 = arith.constant 0 : i32
      %dma_start3A_908 = arith.constant 0 : i32
      %dma_start3A_909 = tpu.memref_slice %arg7[%dma_start3A_907, %dma_start3A_908] : memref<4x80xi32, #tpu.memory_space<vmem>> -> memref<1x80xi32, #tpu.memory_space<vmem>>
      %dma_start3A_910 = tpu.memref_squeeze %dma_start3A_909 : memref<1x80xi32, #tpu.memory_space<vmem>> -> memref<80xi32, #tpu.memory_space<vmem>>
      %dma_start3A_911 = tpu.memref_slice %arg3[%mul3A_893] : memref<320000xi32, #tpu.memory_space<hbm>> -> memref<80xi32, #tpu.memory_space<hbm>>
      %dma_start3A_912 = arith.constant 0 : i32
      %dma_start3A_913 = tpu.memref_slice %arg7[%dma_start3A_907, %dma_start3A_912] : memref<4x80xi32, #tpu.memory_space<vmem>> -> memref<1x80xi32, #tpu.memory_space<vmem>>
      %dma_start3A_914 = tpu.memref_squeeze %dma_start3A_913 : memref<1x80xi32, #tpu.memory_space<vmem>> -> memref<80xi32, #tpu.memory_space<vmem>>
      %dma_start3A_915 = tpu.memref_slice %arg3[%mul3A_893] : memref<320000xi32, #tpu.memory_space<hbm>> -> memref<80xi32, #tpu.memory_space<hbm>>
      tpu.enqueue_dma source(%dma_start3A_915 : memref<80xi32, #tpu.memory_space<hbm>>) target(%dma_start3A_914 : memref<80xi32, #tpu.memory_space<vmem>>) target_semaphore(%arg10 : memref<!tpu.dma_semaphore, #tpu.memory_space<semaphore_mem>>)
      %add3A_916 = arith.constant 2 : i32
      %add3A_917 = arith.addi %mul3A_751, %add3A_916 : i32
      %mul3A_918 = arith.constant 32 : i32
      %mul3A_919 = arith.muli %add3A_917, %mul3A_918 : i32
      %add3A_920 = arith.addi %mul3A_919, %add3A : i32
      %mul3A_921 = arith.constant 80 : i32
      %mul3A_922 = arith.muli %add3A_920, %mul3A_921 : i32
      %dma_wait3A_923 = arith.constant 2 : i32
      %dma_wait3A_924 = arith.constant 0 : i32
      %dma_wait3A_925 = arith.constant 0 : i32
      %dma_wait3A_926 = tpu.memref_slice %arg6[%dma_wait3A_923, %dma_wait3A_924, %dma_wait3A_925] : memref<4x80x128xf32, #tpu.memory_space<vmem>> -> memref<1x80x128xf32, #tpu.memory_space<vmem>>
      %dma_wait3A_927 = tpu.memref_squeeze %dma_wait3A_926 : memref<1x80x128xf32, #tpu.memory_space<vmem>> -> memref<80x128xf32, #tpu.memory_space<vmem>>
      %dma_wait3A_928 = arith.constant 0 : i32
      %dma_wait3A_929 = tpu.memref_slice %arg2[%mul3A_922, %dma_wait3A_928] : memref<320000x128xf32, #tpu.memory_space<hbm>> -> memref<80x128xf32, #tpu.memory_space<hbm>>
      %dma_wait3A_930 = arith.constant 0 : i32
      %dma_wait3A_931 = arith.constant 0 : i32
      %dma_wait3A_932 = tpu.memref_slice %arg6[%dma_wait3A_923, %dma_wait3A_930, %dma_wait3A_931] : memref<4x80x128xf32, #tpu.memory_space<vmem>> -> memref<1x80x128xf32, #tpu.memory_space<vmem>>
      %dma_wait3A_933 = tpu.memref_squeeze %dma_wait3A_932 : memref<1x80x128xf32, #tpu.memory_space<vmem>> -> memref<80x128xf32, #tpu.memory_space<vmem>>
      %dma_wait3A_934 = arith.constant 0 : i32
      %dma_wait3A_935 = tpu.memref_slice %arg2[%mul3A_922, %dma_wait3A_934] : memref<320000x128xf32, #tpu.memory_space<hbm>> -> memref<80x128xf32, #tpu.memory_space<hbm>>
      tpu.wait_dma2 semaphore(%arg12 : memref<!tpu.dma_semaphore, #tpu.memory_space<semaphore_mem>>) src(%dma_wait3A_935 : memref<80x128xf32, #tpu.memory_space<hbm>>) dst(%dma_wait3A_933 : memref<80x128xf32, #tpu.memory_space<vmem>>)
      %dma_wait3A_936 = arith.constant 2 : i32
      %dma_wait3A_937 = arith.constant 0 : i32
      %dma_wait3A_938 = tpu.memref_slice %arg7[%dma_wait3A_936, %dma_wait3A_937] : memref<4x80xi32, #tpu.memory_space<vmem>> -> memref<1x80xi32, #tpu.memory_space<vmem>>
      %dma_wait3A_939 = tpu.memref_squeeze %dma_wait3A_938 : memref<1x80xi32, #tpu.memory_space<vmem>> -> memref<80xi32, #tpu.memory_space<vmem>>
      %dma_wait3A_940 = tpu.memref_slice %arg3[%mul3A_922] : memref<320000xi32, #tpu.memory_space<hbm>> -> memref<80xi32, #tpu.memory_space<hbm>>
      %dma_wait3A_941 = arith.constant 0 : i32
      %dma_wait3A_942 = tpu.memref_slice %arg7[%dma_wait3A_936, %dma_wait3A_941] : memref<4x80xi32, #tpu.memory_space<vmem>> -> memref<1x80xi32, #tpu.memory_space<vmem>>
      %dma_wait3A_943 = tpu.memref_squeeze %dma_wait3A_942 : memref<1x80xi32, #tpu.memory_space<vmem>> -> memref<80xi32, #tpu.memory_space<vmem>>
      %dma_wait3A_944 = tpu.memref_slice %arg3[%mul3A_922] : memref<320000xi32, #tpu.memory_space<hbm>> -> memref<80xi32, #tpu.memory_space<hbm>>
      tpu.wait_dma2 semaphore(%arg12 : memref<!tpu.dma_semaphore, #tpu.memory_space<semaphore_mem>>) src(%dma_wait3A_944 : memref<80xi32, #tpu.memory_space<hbm>>) dst(%dma_wait3A_943 : memref<80xi32, #tpu.memory_space<vmem>>)
      %dma_wait3A_945 = arith.constant 1 : i32
      %dma_wait3A_946 = arith.constant 1 : i32
      %dma_wait3A_947 = arith.constant 0 : i32
      %dma_wait3A_948 = arith.constant 0 : i32
      %dma_wait3A_949 = tpu.memref_slice %arg6[%dma_wait3A_945, %dma_wait3A_947, %dma_wait3A_948] : memref<4x80x128xf32, #tpu.memory_space<vmem>> -> memref<1x80x128xf32, #tpu.memory_space<vmem>>
      %dma_wait3A_950 = tpu.memref_squeeze %dma_wait3A_949 : memref<1x80x128xf32, #tpu.memory_space<vmem>> -> memref<80x128xf32, #tpu.memory_space<vmem>>
      %dma_wait3A_951 = arith.constant 0 : i32
      %dma_wait3A_952 = tpu.memref_slice %arg7[%dma_wait3A_946, %dma_wait3A_951] : memref<4x80xi32, #tpu.memory_space<vmem>> -> memref<1x80xi32, #tpu.memory_space<vmem>>
      %dma_wait3A_953 = tpu.memref_squeeze %dma_wait3A_952 : memref<1x80xi32, #tpu.memory_space<vmem>> -> memref<80xi32, #tpu.memory_space<vmem>>
      %dma_wait3A_954 = arith.constant 0 : i32
      %dma_wait3A_955 = arith.constant 0 : i32
      %dma_wait3A_956 = tpu.memref_slice %arg9[%dma_wait3A_954, %dma_wait3A_955] : memref<10000x128xf32, #tpu.memory_space<vmem_shared>> -> memref<10000x128xf32, #tpu.memory_space<vmem_shared>>
      tpu.wait_indirect_dma semaphore(%arg15 : memref<!tpu.dma_semaphore, #tpu.memory_space<semaphore_mem>>) src(%dma_wait3A_950 : memref<80x128xf32, #tpu.memory_space<vmem>>) dst(%dma_wait3A_956 : memref<10000x128xf32, #tpu.memory_space<vmem_shared>>)
      %dma_start3A_957 = arith.constant 2 : i32
      %dma_start3A_958 = arith.constant 2 : i32
      %dma_start3A_959 = arith.constant 0 : i32
      %dma_start3A_960 = arith.constant 0 : i32
      %dma_start3A_961 = tpu.memref_slice %arg6[%dma_start3A_957, %dma_start3A_959, %dma_start3A_960] : memref<4x80x128xf32, #tpu.memory_space<vmem>> -> memref<1x80x128xf32, #tpu.memory_space<vmem>>
      %dma_start3A_962 = tpu.memref_squeeze %dma_start3A_961 : memref<1x80x128xf32, #tpu.memory_space<vmem>> -> memref<80x128xf32, #tpu.memory_space<vmem>>
      %dma_start3A_963 = arith.constant 0 : i32
      %dma_start3A_964 = tpu.memref_slice %arg7[%dma_start3A_958, %dma_start3A_963] : memref<4x80xi32, #tpu.memory_space<vmem>> -> memref<1x80xi32, #tpu.memory_space<vmem>>
      %dma_start3A_965 = tpu.memref_squeeze %dma_start3A_964 : memref<1x80xi32, #tpu.memory_space<vmem>> -> memref<80xi32, #tpu.memory_space<vmem>>
      %dma_start3A_966 = arith.constant 0 : i32
      %dma_start3A_967 = arith.constant 0 : i32
      %dma_start3A_968 = tpu.memref_slice %arg9[%dma_start3A_966, %dma_start3A_967] : memref<10000x128xf32, #tpu.memory_space<vmem_shared>> -> memref<10000x128xf32, #tpu.memory_space<vmem_shared>>
      tpu.enqueue_indirect_dma source(%dma_start3A_962 : memref<80x128xf32, #tpu.memory_space<vmem>>) target(%dma_start3A_968 : memref<10000x128xf32, #tpu.memory_space<vmem_shared>>) offsets(%dma_start3A_965 : memref<80xi32, #tpu.memory_space<vmem>>) semaphore(%arg14 : memref<!tpu.dma_semaphore, #tpu.memory_space<semaphore_mem>>) {add = true}
      %add3A_969 = arith.constant 3 : i32
      %add3A_970 = arith.addi %add3A_917, %add3A_969 : i32
      %mul3A_971 = arith.constant 32 : i32
      %mul3A_972 = arith.muli %add3A_970, %mul3A_971 : i32
      %add3A_973 = arith.addi %mul3A_972, %add3A : i32
      %mul3A_974 = arith.constant 80 : i32
      %mul3A_975 = arith.muli %add3A_973, %mul3A_974 : i32
      %dma_start3A_976 = arith.constant 1 : i32
      %dma_start3A_977 = arith.constant 0 : i32
      %dma_start3A_978 = arith.constant 0 : i32
      %dma_start3A_979 = tpu.memref_slice %arg6[%dma_start3A_976, %dma_start3A_977, %dma_start3A_978] : memref<4x80x128xf32, #tpu.memory_space<vmem>> -> memref<1x80x128xf32, #tpu.memory_space<vmem>>
      %dma_start3A_980 = tpu.memref_squeeze %dma_start3A_979 : memref<1x80x128xf32, #tpu.memory_space<vmem>> -> memref<80x128xf32, #tpu.memory_space<vmem>>
      %dma_start3A_981 = arith.constant 0 : i32
      %dma_start3A_982 = tpu.memref_slice %arg2[%mul3A_975, %dma_start3A_981] : memref<320000x128xf32, #tpu.memory_space<hbm>> -> memref<80x128xf32, #tpu.memory_space<hbm>>
      %dma_start3A_983 = arith.constant 0 : i32
      %dma_start3A_984 = arith.constant 0 : i32
      %dma_start3A_985 = tpu.memref_slice %arg6[%dma_start3A_976, %dma_start3A_983, %dma_start3A_984] : memref<4x80x128xf32, #tpu.memory_space<vmem>> -> memref<1x80x128xf32, #tpu.memory_space<vmem>>
      %dma_start3A_986 = tpu.memref_squeeze %dma_start3A_985 : memref<1x80x128xf32, #tpu.memory_space<vmem>> -> memref<80x128xf32, #tpu.memory_space<vmem>>
      %dma_start3A_987 = arith.constant 0 : i32
      %dma_start3A_988 = tpu.memref_slice %arg2[%mul3A_975, %dma_start3A_987] : memref<320000x128xf32, #tpu.memory_space<hbm>> -> memref<80x128xf32, #tpu.memory_space<hbm>>
      tpu.enqueue_dma source(%dma_start3A_988 : memref<80x128xf32, #tpu.memory_space<hbm>>) target(%dma_start3A_986 : memref<80x128xf32, #tpu.memory_space<vmem>>) target_semaphore(%arg11 : memref<!tpu.dma_semaphore, #tpu.memory_space<semaphore_mem>>)
      %dma_start3A_989 = arith.constant 1 : i32
      %dma_start3A_990 = arith.constant 0 : i32
      %dma_start3A_991 = tpu.memref_slice %arg7[%dma_start3A_989, %dma_start3A_990] : memref<4x80xi32, #tpu.memory_space<vmem>> -> memref<1x80xi32, #tpu.memory_space<vmem>>
      %dma_start3A_992 = tpu.memref_squeeze %dma_start3A_991 : memref<1x80xi32, #tpu.memory_space<vmem>> -> memref<80xi32, #tpu.memory_space<vmem>>
      %dma_start3A_993 = tpu.memref_slice %arg3[%mul3A_975] : memref<320000xi32, #tpu.memory_space<hbm>> -> memref<80xi32, #tpu.memory_space<hbm>>
      %dma_start3A_994 = arith.constant 0 : i32
      %dma_start3A_995 = tpu.memref_slice %arg7[%dma_start3A_989, %dma_start3A_994] : memref<4x80xi32, #tpu.memory_space<vmem>> -> memref<1x80xi32, #tpu.memory_space<vmem>>
      %dma_start3A_996 = tpu.memref_squeeze %dma_start3A_995 : memref<1x80xi32, #tpu.memory_space<vmem>> -> memref<80xi32, #tpu.memory_space<vmem>>
      %dma_start3A_997 = tpu.memref_slice %arg3[%mul3A_975] : memref<320000xi32, #tpu.memory_space<hbm>> -> memref<80xi32, #tpu.memory_space<hbm>>
      tpu.enqueue_dma source(%dma_start3A_997 : memref<80xi32, #tpu.memory_space<hbm>>) target(%dma_start3A_996 : memref<80xi32, #tpu.memory_space<vmem>>) target_semaphore(%arg11 : memref<!tpu.dma_semaphore, #tpu.memory_space<semaphore_mem>>)
      %add3A_998 = arith.constant 3 : i32
      %add3A_999 = arith.addi %mul3A_751, %add3A_998 : i32
      %mul3A_1000 = arith.constant 32 : i32
      %mul3A_1001 = arith.muli %add3A_999, %mul3A_1000 : i32
      %add3A_1002 = arith.addi %mul3A_1001, %add3A : i32
      %mul3A_1003 = arith.constant 80 : i32
      %mul3A_1004 = arith.muli %add3A_1002, %mul3A_1003 : i32
      %dma_wait3A_1005 = arith.constant 3 : i32
      %dma_wait3A_1006 = arith.constant 0 : i32
      %dma_wait3A_1007 = arith.constant 0 : i32
      %dma_wait3A_1008 = tpu.memref_slice %arg6[%dma_wait3A_1005, %dma_wait3A_1006, %dma_wait3A_1007] : memref<4x80x128xf32, #tpu.memory_space<vmem>> -> memref<1x80x128xf32, #tpu.memory_space<vmem>>
      %dma_wait3A_1009 = tpu.memref_squeeze %dma_wait3A_1008 : memref<1x80x128xf32, #tpu.memory_space<vmem>> -> memref<80x128xf32, #tpu.memory_space<vmem>>
      %dma_wait3A_1010 = arith.constant 0 : i32
      %dma_wait3A_1011 = tpu.memref_slice %arg2[%mul3A_1004, %dma_wait3A_1010] : memref<320000x128xf32, #tpu.memory_space<hbm>> -> memref<80x128xf32, #tpu.memory_space<hbm>>
      %dma_wait3A_1012 = arith.constant 0 : i32
      %dma_wait3A_1013 = arith.constant 0 : i32
      %dma_wait3A_1014 = tpu.memref_slice %arg6[%dma_wait3A_1005, %dma_wait3A_1012, %dma_wait3A_1013] : memref<4x80x128xf32, #tpu.memory_space<vmem>> -> memref<1x80x128xf32, #tpu.memory_space<vmem>>
      %dma_wait3A_1015 = tpu.memref_squeeze %dma_wait3A_1014 : memref<1x80x128xf32, #tpu.memory_space<vmem>> -> memref<80x128xf32, #tpu.memory_space<vmem>>
      %dma_wait3A_1016 = arith.constant 0 : i32
      %dma_wait3A_1017 = tpu.memref_slice %arg2[%mul3A_1004, %dma_wait3A_1016] : memref<320000x128xf32, #tpu.memory_space<hbm>> -> memref<80x128xf32, #tpu.memory_space<hbm>>
      tpu.wait_dma2 semaphore(%arg13 : memref<!tpu.dma_semaphore, #tpu.memory_space<semaphore_mem>>) src(%dma_wait3A_1017 : memref<80x128xf32, #tpu.memory_space<hbm>>) dst(%dma_wait3A_1015 : memref<80x128xf32, #tpu.memory_space<vmem>>)
      %dma_wait3A_1018 = arith.constant 3 : i32
      %dma_wait3A_1019 = arith.constant 0 : i32
      %dma_wait3A_1020 = tpu.memref_slice %arg7[%dma_wait3A_1018, %dma_wait3A_1019] : memref<4x80xi32, #tpu.memory_space<vmem>> -> memref<1x80xi32, #tpu.memory_space<vmem>>
      %dma_wait3A_1021 = tpu.memref_squeeze %dma_wait3A_1020 : memref<1x80xi32, #tpu.memory_space<vmem>> -> memref<80xi32, #tpu.memory_space<vmem>>
      %dma_wait3A_1022 = tpu.memref_slice %arg3[%mul3A_1004] : memref<320000xi32, #tpu.memory_space<hbm>> -> memref<80xi32, #tpu.memory_space<hbm>>
      %dma_wait3A_1023 = arith.constant 0 : i32
      %dma_wait3A_1024 = tpu.memref_slice %arg7[%dma_wait3A_1018, %dma_wait3A_1023] : memref<4x80xi32, #tpu.memory_space<vmem>> -> memref<1x80xi32, #tpu.memory_space<vmem>>
      %dma_wait3A_1025 = tpu.memref_squeeze %dma_wait3A_1024 : memref<1x80xi32, #tpu.memory_space<vmem>> -> memref<80xi32, #tpu.memory_space<vmem>>
      %dma_wait3A_1026 = tpu.memref_slice %arg3[%mul3A_1004] : memref<320000xi32, #tpu.memory_space<hbm>> -> memref<80xi32, #tpu.memory_space<hbm>>
      tpu.wait_dma2 semaphore(%arg13 : memref<!tpu.dma_semaphore, #tpu.memory_space<semaphore_mem>>) src(%dma_wait3A_1026 : memref<80xi32, #tpu.memory_space<hbm>>) dst(%dma_wait3A_1025 : memref<80xi32, #tpu.memory_space<vmem>>)
      %dma_wait3A_1027 = arith.constant 2 : i32
      %dma_wait3A_1028 = arith.constant 2 : i32
      %dma_wait3A_1029 = arith.constant 0 : i32
      %dma_wait3A_1030 = arith.constant 0 : i32
      %dma_wait3A_1031 = tpu.memref_slice %arg6[%dma_wait3A_1027, %dma_wait3A_1029, %dma_wait3A_1030] : memref<4x80x128xf32, #tpu.memory_space<vmem>> -> memref<1x80x128xf32, #tpu.memory_space<vmem>>
      %dma_wait3A_1032 = tpu.memref_squeeze %dma_wait3A_1031 : memref<1x80x128xf32, #tpu.memory_space<vmem>> -> memref<80x128xf32, #tpu.memory_space<vmem>>
      %dma_wait3A_1033 = arith.constant 0 : i32
      %dma_wait3A_1034 = tpu.memref_slice %arg7[%dma_wait3A_1028, %dma_wait3A_1033] : memref<4x80xi32, #tpu.memory_space<vmem>> -> memref<1x80xi32, #tpu.memory_space<vmem>>
      %dma_wait3A_1035 = tpu.memref_squeeze %dma_wait3A_1034 : memref<1x80xi32, #tpu.memory_space<vmem>> -> memref<80xi32, #tpu.memory_space<vmem>>
      %dma_wait3A_1036 = arith.constant 0 : i32
      %dma_wait3A_1037 = arith.constant 0 : i32
      %dma_wait3A_1038 = tpu.memref_slice %arg9[%dma_wait3A_1036, %dma_wait3A_1037] : memref<10000x128xf32, #tpu.memory_space<vmem_shared>> -> memref<10000x128xf32, #tpu.memory_space<vmem_shared>>
      tpu.wait_indirect_dma semaphore(%arg14 : memref<!tpu.dma_semaphore, #tpu.memory_space<semaphore_mem>>) src(%dma_wait3A_1032 : memref<80x128xf32, #tpu.memory_space<vmem>>) dst(%dma_wait3A_1038 : memref<10000x128xf32, #tpu.memory_space<vmem_shared>>)
      %dma_start3A_1039 = arith.constant 3 : i32
      %dma_start3A_1040 = arith.constant 3 : i32
      %dma_start3A_1041 = arith.constant 0 : i32
      %dma_start3A_1042 = arith.constant 0 : i32
      %dma_start3A_1043 = tpu.memref_slice %arg6[%dma_start3A_1039, %dma_start3A_1041, %dma_start3A_1042] : memref<4x80x128xf32, #tpu.memory_space<vmem>> -> memref<1x80x128xf32, #tpu.memory_space<vmem>>
      %dma_start3A_1044 = tpu.memref_squeeze %dma_start3A_1043 : memref<1x80x128xf32, #tpu.memory_space<vmem>> -> memref<80x128xf32, #tpu.memory_space<vmem>>
      %dma_start3A_1045 = arith.constant 0 : i32
      %dma_start3A_1046 = tpu.memref_slice %arg7[%dma_start3A_1040, %dma_start3A_1045] : memref<4x80xi32, #tpu.memory_space<vmem>> -> memref<1x80xi32, #tpu.memory_space<vmem>>
      %dma_start3A_1047 = tpu.memref_squeeze %dma_start3A_1046 : memref<1x80xi32, #tpu.memory_space<vmem>> -> memref<80xi32, #tpu.memory_space<vmem>>
      %dma_start3A_1048 = arith.constant 0 : i32
      %dma_start3A_1049 = arith.constant 0 : i32
      %dma_start3A_1050 = tpu.memref_slice %arg9[%dma_start3A_1048, %dma_start3A_1049] : memref<10000x128xf32, #tpu.memory_space<vmem_shared>> -> memref<10000x128xf32, #tpu.memory_space<vmem_shared>>
      tpu.enqueue_indirect_dma source(%dma_start3A_1044 : memref<80x128xf32, #tpu.memory_space<vmem>>) target(%dma_start3A_1050 : memref<10000x128xf32, #tpu.memory_space<vmem_shared>>) offsets(%dma_start3A_1047 : memref<80xi32, #tpu.memory_space<vmem>>) semaphore(%arg15 : memref<!tpu.dma_semaphore, #tpu.memory_space<semaphore_mem>>) {add = true}
      %add3A_1051 = arith.constant 3 : i32
      %add3A_1052 = arith.addi %add3A_999, %add3A_1051 : i32
      %mul3A_1053 = arith.constant 32 : i32
      %mul3A_1054 = arith.muli %add3A_1052, %mul3A_1053 : i32
      %add3A_1055 = arith.addi %mul3A_1054, %add3A : i32
      %mul3A_1056 = arith.constant 80 : i32
      %mul3A_1057 = arith.muli %add3A_1055, %mul3A_1056 : i32
      %dma_start3A_1058 = arith.constant 2 : i32
      %dma_start3A_1059 = arith.constant 0 : i32
      %dma_start3A_1060 = arith.constant 0 : i32
      %dma_start3A_1061 = tpu.memref_slice %arg6[%dma_start3A_1058, %dma_start3A_1059, %dma_start3A_1060] : memref<4x80x128xf32, #tpu.memory_space<vmem>> -> memref<1x80x128xf32, #tpu.memory_space<vmem>>
      %dma_start3A_1062 = tpu.memref_squeeze %dma_start3A_1061 : memref<1x80x128xf32, #tpu.memory_space<vmem>> -> memref<80x128xf32, #tpu.memory_space<vmem>>
      %dma_start3A_1063 = arith.constant 0 : i32
      %dma_start3A_1064 = tpu.memref_slice %arg2[%mul3A_1057, %dma_start3A_1063] : memref<320000x128xf32, #tpu.memory_space<hbm>> -> memref<80x128xf32, #tpu.memory_space<hbm>>
      %dma_start3A_1065 = arith.constant 0 : i32
      %dma_start3A_1066 = arith.constant 0 : i32
      %dma_start3A_1067 = tpu.memref_slice %arg6[%dma_start3A_1058, %dma_start3A_1065, %dma_start3A_1066] : memref<4x80x128xf32, #tpu.memory_space<vmem>> -> memref<1x80x128xf32, #tpu.memory_space<vmem>>
      %dma_start3A_1068 = tpu.memref_squeeze %dma_start3A_1067 : memref<1x80x128xf32, #tpu.memory_space<vmem>> -> memref<80x128xf32, #tpu.memory_space<vmem>>
      %dma_start3A_1069 = arith.constant 0 : i32
      %dma_start3A_1070 = tpu.memref_slice %arg2[%mul3A_1057, %dma_start3A_1069] : memref<320000x128xf32, #tpu.memory_space<hbm>> -> memref<80x128xf32, #tpu.memory_space<hbm>>
      tpu.enqueue_dma source(%dma_start3A_1070 : memref<80x128xf32, #tpu.memory_space<hbm>>) target(%dma_start3A_1068 : memref<80x128xf32, #tpu.memory_space<vmem>>) target_semaphore(%arg12 : memref<!tpu.dma_semaphore, #tpu.memory_space<semaphore_mem>>)
      %dma_start3A_1071 = arith.constant 2 : i32
      %dma_start3A_1072 = arith.constant 0 : i32
      %dma_start3A_1073 = tpu.memref_slice %arg7[%dma_start3A_1071, %dma_start3A_1072] : memref<4x80xi32, #tpu.memory_space<vmem>> -> memref<1x80xi32, #tpu.memory_space<vmem>>
      %dma_start3A_1074 = tpu.memref_squeeze %dma_start3A_1073 : memref<1x80xi32, #tpu.memory_space<vmem>> -> memref<80xi32, #tpu.memory_space<vmem>>
      %dma_start3A_1075 = tpu.memref_slice %arg3[%mul3A_1057] : memref<320000xi32, #tpu.memory_space<hbm>> -> memref<80xi32, #tpu.memory_space<hbm>>
      %dma_start3A_1076 = arith.constant 0 : i32
      %dma_start3A_1077 = tpu.memref_slice %arg7[%dma_start3A_1071, %dma_start3A_1076] : memref<4x80xi32, #tpu.memory_space<vmem>> -> memref<1x80xi32, #tpu.memory_space<vmem>>
      %dma_start3A_1078 = tpu.memref_squeeze %dma_start3A_1077 : memref<1x80xi32, #tpu.memory_space<vmem>> -> memref<80xi32, #tpu.memory_space<vmem>>
      %dma_start3A_1079 = tpu.memref_slice %arg3[%mul3A_1057] : memref<320000xi32, #tpu.memory_space<hbm>> -> memref<80xi32, #tpu.memory_space<hbm>>
      tpu.enqueue_dma source(%dma_start3A_1079 : memref<80xi32, #tpu.memory_space<hbm>>) target(%dma_start3A_1078 : memref<80xi32, #tpu.memory_space<vmem>>) target_semaphore(%arg12 : memref<!tpu.dma_semaphore, #tpu.memory_space<semaphore_mem>>)
    }
    %scan3A_405 = arith.constant 29 : i32
    %add3A_406 = arith.constant 3840 : i32
    %add3A_407 = arith.addi %add3A_406, %add3A : i32
    %mul3A_408 = arith.constant 80 : i32
    %mul3A_409 = arith.muli %add3A_407, %mul3A_408 : i32
    %dma_wait3A_410 = arith.constant 0 : i32
    %dma_wait3A_411 = arith.constant 0 : i32
    %dma_wait3A_412 = arith.constant 0 : i32
    %dma_wait3A_413 = tpu.memref_slice %arg6[%dma_wait3A_410, %dma_wait3A_411, %dma_wait3A_412] : memref<4x80x128xf32, #tpu.memory_space<vmem>> -> memref<1x80x128xf32, #tpu.memory_space<vmem>>
    %dma_wait3A_414 = tpu.memref_squeeze %dma_wait3A_413 : memref<1x80x128xf32, #tpu.memory_space<vmem>> -> memref<80x128xf32, #tpu.memory_space<vmem>>
    %dma_wait3A_415 = arith.constant 0 : i32
    %dma_wait3A_416 = tpu.memref_slice %arg2[%mul3A_409, %dma_wait3A_415] : memref<320000x128xf32, #tpu.memory_space<hbm>> -> memref<80x128xf32, #tpu.memory_space<hbm>>
    %dma_wait3A_417 = arith.constant 0 : i32
    %dma_wait3A_418 = arith.constant 0 : i32
    %dma_wait3A_419 = tpu.memref_slice %arg6[%dma_wait3A_410, %dma_wait3A_417, %dma_wait3A_418] : memref<4x80x128xf32, #tpu.memory_space<vmem>> -> memref<1x80x128xf32, #tpu.memory_space<vmem>>
    %dma_wait3A_420 = tpu.memref_squeeze %dma_wait3A_419 : memref<1x80x128xf32, #tpu.memory_space<vmem>> -> memref<80x128xf32, #tpu.memory_space<vmem>>
    %dma_wait3A_421 = arith.constant 0 : i32
    %dma_wait3A_422 = tpu.memref_slice %arg2[%mul3A_409, %dma_wait3A_421] : memref<320000x128xf32, #tpu.memory_space<hbm>> -> memref<80x128xf32, #tpu.memory_space<hbm>>
    tpu.wait_dma2 semaphore(%arg10 : memref<!tpu.dma_semaphore, #tpu.memory_space<semaphore_mem>>) src(%dma_wait3A_422 : memref<80x128xf32, #tpu.memory_space<hbm>>) dst(%dma_wait3A_420 : memref<80x128xf32, #tpu.memory_space<vmem>>)
    %dma_wait3A_423 = arith.constant 0 : i32
    %dma_wait3A_424 = arith.constant 0 : i32
    %dma_wait3A_425 = tpu.memref_slice %arg7[%dma_wait3A_423, %dma_wait3A_424] : memref<4x80xi32, #tpu.memory_space<vmem>> -> memref<1x80xi32, #tpu.memory_space<vmem>>
    %dma_wait3A_426 = tpu.memref_squeeze %dma_wait3A_425 : memref<1x80xi32, #tpu.memory_space<vmem>> -> memref<80xi32, #tpu.memory_space<vmem>>
    %dma_wait3A_427 = tpu.memref_slice %arg3[%mul3A_409] : memref<320000xi32, #tpu.memory_space<hbm>> -> memref<80xi32, #tpu.memory_space<hbm>>
    %dma_wait3A_428 = arith.constant 0 : i32
    %dma_wait3A_429 = tpu.memref_slice %arg7[%dma_wait3A_423, %dma_wait3A_428] : memref<4x80xi32, #tpu.memory_space<vmem>> -> memref<1x80xi32, #tpu.memory_space<vmem>>
    %dma_wait3A_430 = tpu.memref_squeeze %dma_wait3A_429 : memref<1x80xi32, #tpu.memory_space<vmem>> -> memref<80xi32, #tpu.memory_space<vmem>>
    %dma_wait3A_431 = tpu.memref_slice %arg3[%mul3A_409] : memref<320000xi32, #tpu.memory_space<hbm>> -> memref<80xi32, #tpu.memory_space<hbm>>
    tpu.wait_dma2 semaphore(%arg10 : memref<!tpu.dma_semaphore, #tpu.memory_space<semaphore_mem>>) src(%dma_wait3A_431 : memref<80xi32, #tpu.memory_space<hbm>>) dst(%dma_wait3A_430 : memref<80xi32, #tpu.memory_space<vmem>>)
    %dma_wait3A_432 = arith.constant 3 : i32
    %dma_wait3A_433 = arith.constant 3 : i32
    %dma_wait3A_434 = arith.constant 0 : i32
    %dma_wait3A_435 = arith.constant 0 : i32
    %dma_wait3A_436 = tpu.memref_slice %arg6[%dma_wait3A_432, %dma_wait3A_434, %dma_wait3A_435] : memref<4x80x128xf32, #tpu.memory_space<vmem>> -> memref<1x80x128xf32, #tpu.memory_space<vmem>>
    %dma_wait3A_437 = tpu.memref_squeeze %dma_wait3A_436 : memref<1x80x128xf32, #tpu.memory_space<vmem>> -> memref<80x128xf32, #tpu.memory_space<vmem>>
    %dma_wait3A_438 = arith.constant 0 : i32
    %dma_wait3A_439 = tpu.memref_slice %arg7[%dma_wait3A_433, %dma_wait3A_438] : memref<4x80xi32, #tpu.memory_space<vmem>> -> memref<1x80xi32, #tpu.memory_space<vmem>>
    %dma_wait3A_440 = tpu.memref_squeeze %dma_wait3A_439 : memref<1x80xi32, #tpu.memory_space<vmem>> -> memref<80xi32, #tpu.memory_space<vmem>>
    %dma_wait3A_441 = arith.constant 0 : i32
    %dma_wait3A_442 = arith.constant 0 : i32
    %dma_wait3A_443 = tpu.memref_slice %arg9[%dma_wait3A_441, %dma_wait3A_442] : memref<10000x128xf32, #tpu.memory_space<vmem_shared>> -> memref<10000x128xf32, #tpu.memory_space<vmem_shared>>
    tpu.wait_indirect_dma semaphore(%arg15 : memref<!tpu.dma_semaphore, #tpu.memory_space<semaphore_mem>>) src(%dma_wait3A_437 : memref<80x128xf32, #tpu.memory_space<vmem>>) dst(%dma_wait3A_443 : memref<10000x128xf32, #tpu.memory_space<vmem_shared>>)
    %dma_start3A_444 = arith.constant 0 : i32
    %dma_start3A_445 = arith.constant 0 : i32
    %dma_start3A_446 = arith.constant 0 : i32
    %dma_start3A_447 = arith.constant 0 : i32
    %dma_start3A_448 = tpu.memref_slice %arg6[%dma_start3A_444, %dma_start3A_446, %dma_start3A_447] : memref<4x80x128xf32, #tpu.memory_space<vmem>> -> memref<1x80x128xf32, #tpu.memory_space<vmem>>
    %dma_start3A_449 = tpu.memref_squeeze %dma_start3A_448 : memref<1x80x128xf32, #tpu.memory_space<vmem>> -> memref<80x128xf32, #tpu.memory_space<vmem>>
    %dma_start3A_450 = arith.constant 0 : i32
    %dma_start3A_451 = tpu.memref_slice %arg7[%dma_start3A_445, %dma_start3A_450] : memref<4x80xi32, #tpu.memory_space<vmem>> -> memref<1x80xi32, #tpu.memory_space<vmem>>
    %dma_start3A_452 = tpu.memref_squeeze %dma_start3A_451 : memref<1x80xi32, #tpu.memory_space<vmem>> -> memref<80xi32, #tpu.memory_space<vmem>>
    %dma_start3A_453 = arith.constant 0 : i32
    %dma_start3A_454 = arith.constant 0 : i32
    %dma_start3A_455 = tpu.memref_slice %arg9[%dma_start3A_453, %dma_start3A_454] : memref<10000x128xf32, #tpu.memory_space<vmem_shared>> -> memref<10000x128xf32, #tpu.memory_space<vmem_shared>>
    tpu.enqueue_indirect_dma source(%dma_start3A_449 : memref<80x128xf32, #tpu.memory_space<vmem>>) target(%dma_start3A_455 : memref<10000x128xf32, #tpu.memory_space<vmem_shared>>) offsets(%dma_start3A_452 : memref<80xi32, #tpu.memory_space<vmem>>) semaphore(%arg14 : memref<!tpu.dma_semaphore, #tpu.memory_space<semaphore_mem>>) {add = true}
    %add3A_456 = arith.constant 3936 : i32
    %add3A_457 = arith.addi %add3A_456, %add3A : i32
    %mul3A_458 = arith.constant 80 : i32
    %mul3A_459 = arith.muli %add3A_457, %mul3A_458 : i32
    %dma_start3A_460 = arith.constant 3 : i32
    %dma_start3A_461 = arith.constant 0 : i32
    %dma_start3A_462 = arith.constant 0 : i32
    %dma_start3A_463 = tpu.memref_slice %arg6[%dma_start3A_460, %dma_start3A_461, %dma_start3A_462] : memref<4x80x128xf32, #tpu.memory_space<vmem>> -> memref<1x80x128xf32, #tpu.memory_space<vmem>>
    %dma_start3A_464 = tpu.memref_squeeze %dma_start3A_463 : memref<1x80x128xf32, #tpu.memory_space<vmem>> -> memref<80x128xf32, #tpu.memory_space<vmem>>
    %dma_start3A_465 = arith.constant 0 : i32
    %dma_start3A_466 = tpu.memref_slice %arg2[%mul3A_459, %dma_start3A_465] : memref<320000x128xf32, #tpu.memory_space<hbm>> -> memref<80x128xf32, #tpu.memory_space<hbm>>
    %dma_start3A_467 = arith.constant 0 : i32
    %dma_start3A_468 = arith.constant 0 : i32
    %dma_start3A_469 = tpu.memref_slice %arg6[%dma_start3A_460, %dma_start3A_467, %dma_start3A_468] : memref<4x80x128xf32, #tpu.memory_space<vmem>> -> memref<1x80x128xf32, #tpu.memory_space<vmem>>
    %dma_start3A_470 = tpu.memref_squeeze %dma_start3A_469 : memref<1x80x128xf32, #tpu.memory_space<vmem>> -> memref<80x128xf32, #tpu.memory_space<vmem>>
    %dma_start3A_471 = arith.constant 0 : i32
    %dma_start3A_472 = tpu.memref_slice %arg2[%mul3A_459, %dma_start3A_471] : memref<320000x128xf32, #tpu.memory_space<hbm>> -> memref<80x128xf32, #tpu.memory_space<hbm>>
    tpu.enqueue_dma source(%dma_start3A_472 : memref<80x128xf32, #tpu.memory_space<hbm>>) target(%dma_start3A_470 : memref<80x128xf32, #tpu.memory_space<vmem>>) target_semaphore(%arg13 : memref<!tpu.dma_semaphore, #tpu.memory_space<semaphore_mem>>)
    %dma_start3A_473 = arith.constant 3 : i32
    %dma_start3A_474 = arith.constant 0 : i32
    %dma_start3A_475 = tpu.memref_slice %arg7[%dma_start3A_473, %dma_start3A_474] : memref<4x80xi32, #tpu.memory_space<vmem>> -> memref<1x80xi32, #tpu.memory_space<vmem>>
    %dma_start3A_476 = tpu.memref_squeeze %dma_start3A_475 : memref<1x80xi32, #tpu.memory_space<vmem>> -> memref<80xi32, #tpu.memory_space<vmem>>
    %dma_start3A_477 = tpu.memref_slice %arg3[%mul3A_459] : memref<320000xi32, #tpu.memory_space<hbm>> -> memref<80xi32, #tpu.memory_space<hbm>>
    %dma_start3A_478 = arith.constant 0 : i32
    %dma_start3A_479 = tpu.memref_slice %arg7[%dma_start3A_473, %dma_start3A_478] : memref<4x80xi32, #tpu.memory_space<vmem>> -> memref<1x80xi32, #tpu.memory_space<vmem>>
    %dma_start3A_480 = tpu.memref_squeeze %dma_start3A_479 : memref<1x80xi32, #tpu.memory_space<vmem>> -> memref<80xi32, #tpu.memory_space<vmem>>
    %dma_start3A_481 = tpu.memref_slice %arg3[%mul3A_459] : memref<320000xi32, #tpu.memory_space<hbm>> -> memref<80xi32, #tpu.memory_space<hbm>>
    tpu.enqueue_dma source(%dma_start3A_481 : memref<80xi32, #tpu.memory_space<hbm>>) target(%dma_start3A_480 : memref<80xi32, #tpu.memory_space<vmem>>) target_semaphore(%arg13 : memref<!tpu.dma_semaphore, #tpu.memory_space<semaphore_mem>>)
    %add3A_482 = arith.constant 3872 : i32
    %add3A_483 = arith.addi %add3A_482, %add3A : i32
    %mul3A_484 = arith.constant 80 : i32
    %mul3A_485 = arith.muli %add3A_483, %mul3A_484 : i32
    %dma_wait3A_486 = arith.constant 1 : i32
    %dma_wait3A_487 = arith.constant 0 : i32
    %dma_wait3A_488 = arith.constant 0 : i32
    %dma_wait3A_489 = tpu.memref_slice %arg6[%dma_wait3A_486, %dma_wait3A_487, %dma_wait3A_488] : memref<4x80x128xf32, #tpu.memory_space<vmem>> -> memref<1x80x128xf32, #tpu.memory_space<vmem>>
    %dma_wait3A_490 = tpu.memref_squeeze %dma_wait3A_489 : memref<1x80x128xf32, #tpu.memory_space<vmem>> -> memref<80x128xf32, #tpu.memory_space<vmem>>
    %dma_wait3A_491 = arith.constant 0 : i32
    %dma_wait3A_492 = tpu.memref_slice %arg2[%mul3A_485, %dma_wait3A_491] : memref<320000x128xf32, #tpu.memory_space<hbm>> -> memref<80x128xf32, #tpu.memory_space<hbm>>
    %dma_wait3A_493 = arith.constant 0 : i32
    %dma_wait3A_494 = arith.constant 0 : i32
    %dma_wait3A_495 = tpu.memref_slice %arg6[%dma_wait3A_486, %dma_wait3A_493, %dma_wait3A_494] : memref<4x80x128xf32, #tpu.memory_space<vmem>> -> memref<1x80x128xf32, #tpu.memory_space<vmem>>
    %dma_wait3A_496 = tpu.memref_squeeze %dma_wait3A_495 : memref<1x80x128xf32, #tpu.memory_space<vmem>> -> memref<80x128xf32, #tpu.memory_space<vmem>>
    %dma_wait3A_497 = arith.constant 0 : i32
    %dma_wait3A_498 = tpu.memref_slice %arg2[%mul3A_485, %dma_wait3A_497] : memref<320000x128xf32, #tpu.memory_space<hbm>> -> memref<80x128xf32, #tpu.memory_space<hbm>>
    tpu.wait_dma2 semaphore(%arg11 : memref<!tpu.dma_semaphore, #tpu.memory_space<semaphore_mem>>) src(%dma_wait3A_498 : memref<80x128xf32, #tpu.memory_space<hbm>>) dst(%dma_wait3A_496 : memref<80x128xf32, #tpu.memory_space<vmem>>)
    %dma_wait3A_499 = arith.constant 1 : i32
    %dma_wait3A_500 = arith.constant 0 : i32
    %dma_wait3A_501 = tpu.memref_slice %arg7[%dma_wait3A_499, %dma_wait3A_500] : memref<4x80xi32, #tpu.memory_space<vmem>> -> memref<1x80xi32, #tpu.memory_space<vmem>>
    %dma_wait3A_502 = tpu.memref_squeeze %dma_wait3A_501 : memref<1x80xi32, #tpu.memory_space<vmem>> -> memref<80xi32, #tpu.memory_space<vmem>>
    %dma_wait3A_503 = tpu.memref_slice %arg3[%mul3A_485] : memref<320000xi32, #tpu.memory_space<hbm>> -> memref<80xi32, #tpu.memory_space<hbm>>
    %dma_wait3A_504 = arith.constant 0 : i32
    %dma_wait3A_505 = tpu.memref_slice %arg7[%dma_wait3A_499, %dma_wait3A_504] : memref<4x80xi32, #tpu.memory_space<vmem>> -> memref<1x80xi32, #tpu.memory_space<vmem>>
    %dma_wait3A_506 = tpu.memref_squeeze %dma_wait3A_505 : memref<1x80xi32, #tpu.memory_space<vmem>> -> memref<80xi32, #tpu.memory_space<vmem>>
    %dma_wait3A_507 = tpu.memref_slice %arg3[%mul3A_485] : memref<320000xi32, #tpu.memory_space<hbm>> -> memref<80xi32, #tpu.memory_space<hbm>>
    tpu.wait_dma2 semaphore(%arg11 : memref<!tpu.dma_semaphore, #tpu.memory_space<semaphore_mem>>) src(%dma_wait3A_507 : memref<80xi32, #tpu.memory_space<hbm>>) dst(%dma_wait3A_506 : memref<80xi32, #tpu.memory_space<vmem>>)
    %dma_wait3A_508 = arith.constant 0 : i32
    %dma_wait3A_509 = arith.constant 0 : i32
    %dma_wait3A_510 = arith.constant 0 : i32
    %dma_wait3A_511 = arith.constant 0 : i32
    %dma_wait3A_512 = tpu.memref_slice %arg6[%dma_wait3A_508, %dma_wait3A_510, %dma_wait3A_511] : memref<4x80x128xf32, #tpu.memory_space<vmem>> -> memref<1x80x128xf32, #tpu.memory_space<vmem>>
    %dma_wait3A_513 = tpu.memref_squeeze %dma_wait3A_512 : memref<1x80x128xf32, #tpu.memory_space<vmem>> -> memref<80x128xf32, #tpu.memory_space<vmem>>
    %dma_wait3A_514 = arith.constant 0 : i32
    %dma_wait3A_515 = tpu.memref_slice %arg7[%dma_wait3A_509, %dma_wait3A_514] : memref<4x80xi32, #tpu.memory_space<vmem>> -> memref<1x80xi32, #tpu.memory_space<vmem>>
    %dma_wait3A_516 = tpu.memref_squeeze %dma_wait3A_515 : memref<1x80xi32, #tpu.memory_space<vmem>> -> memref<80xi32, #tpu.memory_space<vmem>>
    %dma_wait3A_517 = arith.constant 0 : i32
    %dma_wait3A_518 = arith.constant 0 : i32
    %dma_wait3A_519 = tpu.memref_slice %arg9[%dma_wait3A_517, %dma_wait3A_518] : memref<10000x128xf32, #tpu.memory_space<vmem_shared>> -> memref<10000x128xf32, #tpu.memory_space<vmem_shared>>
    tpu.wait_indirect_dma semaphore(%arg14 : memref<!tpu.dma_semaphore, #tpu.memory_space<semaphore_mem>>) src(%dma_wait3A_513 : memref<80x128xf32, #tpu.memory_space<vmem>>) dst(%dma_wait3A_519 : memref<10000x128xf32, #tpu.memory_space<vmem_shared>>)
    %dma_start3A_520 = arith.constant 1 : i32
    %dma_start3A_521 = arith.constant 1 : i32
    %dma_start3A_522 = arith.constant 0 : i32
    %dma_start3A_523 = arith.constant 0 : i32
    %dma_start3A_524 = tpu.memref_slice %arg6[%dma_start3A_520, %dma_start3A_522, %dma_start3A_523] : memref<4x80x128xf32, #tpu.memory_space<vmem>> -> memref<1x80x128xf32, #tpu.memory_space<vmem>>
    %dma_start3A_525 = tpu.memref_squeeze %dma_start3A_524 : memref<1x80x128xf32, #tpu.memory_space<vmem>> -> memref<80x128xf32, #tpu.memory_space<vmem>>
    %dma_start3A_526 = arith.constant 0 : i32
    %dma_start3A_527 = tpu.memref_slice %arg7[%dma_start3A_521, %dma_start3A_526] : memref<4x80xi32, #tpu.memory_space<vmem>> -> memref<1x80xi32, #tpu.memory_space<vmem>>
    %dma_start3A_528 = tpu.memref_squeeze %dma_start3A_527 : memref<1x80xi32, #tpu.memory_space<vmem>> -> memref<80xi32, #tpu.memory_space<vmem>>
    %dma_start3A_529 = arith.constant 0 : i32
    %dma_start3A_530 = arith.constant 0 : i32
    %dma_start3A_531 = tpu.memref_slice %arg9[%dma_start3A_529, %dma_start3A_530] : memref<10000x128xf32, #tpu.memory_space<vmem_shared>> -> memref<10000x128xf32, #tpu.memory_space<vmem_shared>>
    tpu.enqueue_indirect_dma source(%dma_start3A_525 : memref<80x128xf32, #tpu.memory_space<vmem>>) target(%dma_start3A_531 : memref<10000x128xf32, #tpu.memory_space<vmem_shared>>) offsets(%dma_start3A_528 : memref<80xi32, #tpu.memory_space<vmem>>) semaphore(%arg15 : memref<!tpu.dma_semaphore, #tpu.memory_space<semaphore_mem>>) {add = true}
    %add3A_532 = arith.constant 3968 : i32
    %add3A_533 = arith.addi %add3A_532, %add3A : i32
    %mul3A_534 = arith.constant 80 : i32
    %mul3A_535 = arith.muli %add3A_533, %mul3A_534 : i32
    %dma_start3A_536 = arith.constant 0 : i32
    %dma_start3A_537 = arith.constant 0 : i32
    %dma_start3A_538 = arith.constant 0 : i32
    %dma_start3A_539 = tpu.memref_slice %arg6[%dma_start3A_536, %dma_start3A_537, %dma_start3A_538] : memref<4x80x128xf32, #tpu.memory_space<vmem>> -> memref<1x80x128xf32, #tpu.memory_space<vmem>>
    %dma_start3A_540 = tpu.memref_squeeze %dma_start3A_539 : memref<1x80x128xf32, #tpu.memory_space<vmem>> -> memref<80x128xf32, #tpu.memory_space<vmem>>
    %dma_start3A_541 = arith.constant 0 : i32
    %dma_start3A_542 = tpu.memref_slice %arg2[%mul3A_535, %dma_start3A_541] : memref<320000x128xf32, #tpu.memory_space<hbm>> -> memref<80x128xf32, #tpu.memory_space<hbm>>
    %dma_start3A_543 = arith.constant 0 : i32
    %dma_start3A_544 = arith.constant 0 : i32
    %dma_start3A_545 = tpu.memref_slice %arg6[%dma_start3A_536, %dma_start3A_543, %dma_start3A_544] : memref<4x80x128xf32, #tpu.memory_space<vmem>> -> memref<1x80x128xf32, #tpu.memory_space<vmem>>
    %dma_start3A_546 = tpu.memref_squeeze %dma_start3A_545 : memref<1x80x128xf32, #tpu.memory_space<vmem>> -> memref<80x128xf32, #tpu.memory_space<vmem>>
    %dma_start3A_547 = arith.constant 0 : i32
    %dma_start3A_548 = tpu.memref_slice %arg2[%mul3A_535, %dma_start3A_547] : memref<320000x128xf32, #tpu.memory_space<hbm>> -> memref<80x128xf32, #tpu.memory_space<hbm>>
    tpu.enqueue_dma source(%dma_start3A_548 : memref<80x128xf32, #tpu.memory_space<hbm>>) target(%dma_start3A_546 : memref<80x128xf32, #tpu.memory_space<vmem>>) target_semaphore(%arg10 : memref<!tpu.dma_semaphore, #tpu.memory_space<semaphore_mem>>)
    %dma_start3A_549 = arith.constant 0 : i32
    %dma_start3A_550 = arith.constant 0 : i32
    %dma_start3A_551 = tpu.memref_slice %arg7[%dma_start3A_549, %dma_start3A_550] : memref<4x80xi32, #tpu.memory_space<vmem>> -> memref<1x80xi32, #tpu.memory_space<vmem>>
    %dma_start3A_552 = tpu.memref_squeeze %dma_start3A_551 : memref<1x80xi32, #tpu.memory_space<vmem>> -> memref<80xi32, #tpu.memory_space<vmem>>
    %dma_start3A_553 = tpu.memref_slice %arg3[%mul3A_535] : memref<320000xi32, #tpu.memory_space<hbm>> -> memref<80xi32, #tpu.memory_space<hbm>>
    %dma_start3A_554 = arith.constant 0 : i32
    %dma_start3A_555 = tpu.memref_slice %arg7[%dma_start3A_549, %dma_start3A_554] : memref<4x80xi32, #tpu.memory_space<vmem>> -> memref<1x80xi32, #tpu.memory_space<vmem>>
    %dma_start3A_556 = tpu.memref_squeeze %dma_start3A_555 : memref<1x80xi32, #tpu.memory_space<vmem>> -> memref<80xi32, #tpu.memory_space<vmem>>
    %dma_start3A_557 = tpu.memref_slice %arg3[%mul3A_535] : memref<320000xi32, #tpu.memory_space<hbm>> -> memref<80xi32, #tpu.memory_space<hbm>>
    tpu.enqueue_dma source(%dma_start3A_557 : memref<80xi32, #tpu.memory_space<hbm>>) target(%dma_start3A_556 : memref<80xi32, #tpu.memory_space<vmem>>) target_semaphore(%arg10 : memref<!tpu.dma_semaphore, #tpu.memory_space<semaphore_mem>>)
    %add3A_558 = arith.constant 3904 : i32
    %add3A_559 = arith.addi %add3A_558, %add3A : i32
    %mul3A_560 = arith.constant 80 : i32
    %mul3A_561 = arith.muli %add3A_559, %mul3A_560 : i32
    %dma_wait3A_562 = arith.constant 2 : i32
    %dma_wait3A_563 = arith.constant 0 : i32
    %dma_wait3A_564 = arith.constant 0 : i32
    %dma_wait3A_565 = tpu.memref_slice %arg6[%dma_wait3A_562, %dma_wait3A_563, %dma_wait3A_564] : memref<4x80x128xf32, #tpu.memory_space<vmem>> -> memref<1x80x128xf32, #tpu.memory_space<vmem>>
    %dma_wait3A_566 = tpu.memref_squeeze %dma_wait3A_565 : memref<1x80x128xf32, #tpu.memory_space<vmem>> -> memref<80x128xf32, #tpu.memory_space<vmem>>
    %dma_wait3A_567 = arith.constant 0 : i32
    %dma_wait3A_568 = tpu.memref_slice %arg2[%mul3A_561, %dma_wait3A_567] : memref<320000x128xf32, #tpu.memory_space<hbm>> -> memref<80x128xf32, #tpu.memory_space<hbm>>
    %dma_wait3A_569 = arith.constant 0 : i32
    %dma_wait3A_570 = arith.constant 0 : i32
    %dma_wait3A_571 = tpu.memref_slice %arg6[%dma_wait3A_562, %dma_wait3A_569, %dma_wait3A_570] : memref<4x80x128xf32, #tpu.memory_space<vmem>> -> memref<1x80x128xf32, #tpu.memory_space<vmem>>
    %dma_wait3A_572 = tpu.memref_squeeze %dma_wait3A_571 : memref<1x80x128xf32, #tpu.memory_space<vmem>> -> memref<80x128xf32, #tpu.memory_space<vmem>>
    %dma_wait3A_573 = arith.constant 0 : i32
    %dma_wait3A_574 = tpu.memref_slice %arg2[%mul3A_561, %dma_wait3A_573] : memref<320000x128xf32, #tpu.memory_space<hbm>> -> memref<80x128xf32, #tpu.memory_space<hbm>>
    tpu.wait_dma2 semaphore(%arg12 : memref<!tpu.dma_semaphore, #tpu.memory_space<semaphore_mem>>) src(%dma_wait3A_574 : memref<80x128xf32, #tpu.memory_space<hbm>>) dst(%dma_wait3A_572 : memref<80x128xf32, #tpu.memory_space<vmem>>)
    %dma_wait3A_575 = arith.constant 2 : i32
    %dma_wait3A_576 = arith.constant 0 : i32
    %dma_wait3A_577 = tpu.memref_slice %arg7[%dma_wait3A_575, %dma_wait3A_576] : memref<4x80xi32, #tpu.memory_space<vmem>> -> memref<1x80xi32, #tpu.memory_space<vmem>>
    %dma_wait3A_578 = tpu.memref_squeeze %dma_wait3A_577 : memref<1x80xi32, #tpu.memory_space<vmem>> -> memref<80xi32, #tpu.memory_space<vmem>>
    %dma_wait3A_579 = tpu.memref_slice %arg3[%mul3A_561] : memref<320000xi32, #tpu.memory_space<hbm>> -> memref<80xi32, #tpu.memory_space<hbm>>
    %dma_wait3A_580 = arith.constant 0 : i32
    %dma_wait3A_581 = tpu.memref_slice %arg7[%dma_wait3A_575, %dma_wait3A_580] : memref<4x80xi32, #tpu.memory_space<vmem>> -> memref<1x80xi32, #tpu.memory_space<vmem>>
    %dma_wait3A_582 = tpu.memref_squeeze %dma_wait3A_581 : memref<1x80xi32, #tpu.memory_space<vmem>> -> memref<80xi32, #tpu.memory_space<vmem>>
    %dma_wait3A_583 = tpu.memref_slice %arg3[%mul3A_561] : memref<320000xi32, #tpu.memory_space<hbm>> -> memref<80xi32, #tpu.memory_space<hbm>>
    tpu.wait_dma2 semaphore(%arg12 : memref<!tpu.dma_semaphore, #tpu.memory_space<semaphore_mem>>) src(%dma_wait3A_583 : memref<80xi32, #tpu.memory_space<hbm>>) dst(%dma_wait3A_582 : memref<80xi32, #tpu.memory_space<vmem>>)
    %dma_wait3A_584 = arith.constant 1 : i32
    %dma_wait3A_585 = arith.constant 1 : i32
    %dma_wait3A_586 = arith.constant 0 : i32
    %dma_wait3A_587 = arith.constant 0 : i32
    %dma_wait3A_588 = tpu.memref_slice %arg6[%dma_wait3A_584, %dma_wait3A_586, %dma_wait3A_587] : memref<4x80x128xf32, #tpu.memory_space<vmem>> -> memref<1x80x128xf32, #tpu.memory_space<vmem>>
    %dma_wait3A_589 = tpu.memref_squeeze %dma_wait3A_588 : memref<1x80x128xf32, #tpu.memory_space<vmem>> -> memref<80x128xf32, #tpu.memory_space<vmem>>
    %dma_wait3A_590 = arith.constant 0 : i32
    %dma_wait3A_591 = tpu.memref_slice %arg7[%dma_wait3A_585, %dma_wait3A_590] : memref<4x80xi32, #tpu.memory_space<vmem>> -> memref<1x80xi32, #tpu.memory_space<vmem>>
    %dma_wait3A_592 = tpu.memref_squeeze %dma_wait3A_591 : memref<1x80xi32, #tpu.memory_space<vmem>> -> memref<80xi32, #tpu.memory_space<vmem>>
    %dma_wait3A_593 = arith.constant 0 : i32
    %dma_wait3A_594 = arith.constant 0 : i32
    %dma_wait3A_595 = tpu.memref_slice %arg9[%dma_wait3A_593, %dma_wait3A_594] : memref<10000x128xf32, #tpu.memory_space<vmem_shared>> -> memref<10000x128xf32, #tpu.memory_space<vmem_shared>>
    tpu.wait_indirect_dma semaphore(%arg15 : memref<!tpu.dma_semaphore, #tpu.memory_space<semaphore_mem>>) src(%dma_wait3A_589 : memref<80x128xf32, #tpu.memory_space<vmem>>) dst(%dma_wait3A_595 : memref<10000x128xf32, #tpu.memory_space<vmem_shared>>)
    %dma_start3A_596 = arith.constant 2 : i32
    %dma_start3A_597 = arith.constant 2 : i32
    %dma_start3A_598 = arith.constant 0 : i32
    %dma_start3A_599 = arith.constant 0 : i32
    %dma_start3A_600 = tpu.memref_slice %arg6[%dma_start3A_596, %dma_start3A_598, %dma_start3A_599] : memref<4x80x128xf32, #tpu.memory_space<vmem>> -> memref<1x80x128xf32, #tpu.memory_space<vmem>>
    %dma_start3A_601 = tpu.memref_squeeze %dma_start3A_600 : memref<1x80x128xf32, #tpu.memory_space<vmem>> -> memref<80x128xf32, #tpu.memory_space<vmem>>
    %dma_start3A_602 = arith.constant 0 : i32
    %dma_start3A_603 = tpu.memref_slice %arg7[%dma_start3A_597, %dma_start3A_602] : memref<4x80xi32, #tpu.memory_space<vmem>> -> memref<1x80xi32, #tpu.memory_space<vmem>>
    %dma_start3A_604 = tpu.memref_squeeze %dma_start3A_603 : memref<1x80xi32, #tpu.memory_space<vmem>> -> memref<80xi32, #tpu.memory_space<vmem>>
    %dma_start3A_605 = arith.constant 0 : i32
    %dma_start3A_606 = arith.constant 0 : i32
    %dma_start3A_607 = tpu.memref_slice %arg9[%dma_start3A_605, %dma_start3A_606] : memref<10000x128xf32, #tpu.memory_space<vmem_shared>> -> memref<10000x128xf32, #tpu.memory_space<vmem_shared>>
    tpu.enqueue_indirect_dma source(%dma_start3A_601 : memref<80x128xf32, #tpu.memory_space<vmem>>) target(%dma_start3A_607 : memref<10000x128xf32, #tpu.memory_space<vmem_shared>>) offsets(%dma_start3A_604 : memref<80xi32, #tpu.memory_space<vmem>>) semaphore(%arg14 : memref<!tpu.dma_semaphore, #tpu.memory_space<semaphore_mem>>) {add = true}
    %add3A_608 = arith.constant 3936 : i32
    %add3A_609 = arith.addi %add3A_608, %add3A : i32
    %mul3A_610 = arith.constant 80 : i32
    %mul3A_611 = arith.muli %add3A_609, %mul3A_610 : i32
    %dma_wait3A_612 = arith.constant 3 : i32
    %dma_wait3A_613 = arith.constant 0 : i32
    %dma_wait3A_614 = arith.constant 0 : i32
    %dma_wait3A_615 = tpu.memref_slice %arg6[%dma_wait3A_612, %dma_wait3A_613, %dma_wait3A_614] : memref<4x80x128xf32, #tpu.memory_space<vmem>> -> memref<1x80x128xf32, #tpu.memory_space<vmem>>
    %dma_wait3A_616 = tpu.memref_squeeze %dma_wait3A_615 : memref<1x80x128xf32, #tpu.memory_space<vmem>> -> memref<80x128xf32, #tpu.memory_space<vmem>>
    %dma_wait3A_617 = arith.constant 0 : i32
    %dma_wait3A_618 = tpu.memref_slice %arg2[%mul3A_611, %dma_wait3A_617] : memref<320000x128xf32, #tpu.memory_space<hbm>> -> memref<80x128xf32, #tpu.memory_space<hbm>>
    %dma_wait3A_619 = arith.constant 0 : i32
    %dma_wait3A_620 = arith.constant 0 : i32
    %dma_wait3A_621 = tpu.memref_slice %arg6[%dma_wait3A_612, %dma_wait3A_619, %dma_wait3A_620] : memref<4x80x128xf32, #tpu.memory_space<vmem>> -> memref<1x80x128xf32, #tpu.memory_space<vmem>>
    %dma_wait3A_622 = tpu.memref_squeeze %dma_wait3A_621 : memref<1x80x128xf32, #tpu.memory_space<vmem>> -> memref<80x128xf32, #tpu.memory_space<vmem>>
    %dma_wait3A_623 = arith.constant 0 : i32
    %dma_wait3A_624 = tpu.memref_slice %arg2[%mul3A_611, %dma_wait3A_623] : memref<320000x128xf32, #tpu.memory_space<hbm>> -> memref<80x128xf32, #tpu.memory_space<hbm>>
    tpu.wait_dma2 semaphore(%arg13 : memref<!tpu.dma_semaphore, #tpu.memory_space<semaphore_mem>>) src(%dma_wait3A_624 : memref<80x128xf32, #tpu.memory_space<hbm>>) dst(%dma_wait3A_622 : memref<80x128xf32, #tpu.memory_space<vmem>>)
    %dma_wait3A_625 = arith.constant 3 : i32
    %dma_wait3A_626 = arith.constant 0 : i32
    %dma_wait3A_627 = tpu.memref_slice %arg7[%dma_wait3A_625, %dma_wait3A_626] : memref<4x80xi32, #tpu.memory_space<vmem>> -> memref<1x80xi32, #tpu.memory_space<vmem>>
    %dma_wait3A_628 = tpu.memref_squeeze %dma_wait3A_627 : memref<1x80xi32, #tpu.memory_space<vmem>> -> memref<80xi32, #tpu.memory_space<vmem>>
    %dma_wait3A_629 = tpu.memref_slice %arg3[%mul3A_611] : memref<320000xi32, #tpu.memory_space<hbm>> -> memref<80xi32, #tpu.memory_space<hbm>>
    %dma_wait3A_630 = arith.constant 0 : i32
    %dma_wait3A_631 = tpu.memref_slice %arg7[%dma_wait3A_625, %dma_wait3A_630] : memref<4x80xi32, #tpu.memory_space<vmem>> -> memref<1x80xi32, #tpu.memory_space<vmem>>
    %dma_wait3A_632 = tpu.memref_squeeze %dma_wait3A_631 : memref<1x80xi32, #tpu.memory_space<vmem>> -> memref<80xi32, #tpu.memory_space<vmem>>
    %dma_wait3A_633 = tpu.memref_slice %arg3[%mul3A_611] : memref<320000xi32, #tpu.memory_space<hbm>> -> memref<80xi32, #tpu.memory_space<hbm>>
    tpu.wait_dma2 semaphore(%arg13 : memref<!tpu.dma_semaphore, #tpu.memory_space<semaphore_mem>>) src(%dma_wait3A_633 : memref<80xi32, #tpu.memory_space<hbm>>) dst(%dma_wait3A_632 : memref<80xi32, #tpu.memory_space<vmem>>)
    %dma_wait3A_634 = arith.constant 2 : i32
    %dma_wait3A_635 = arith.constant 2 : i32
    %dma_wait3A_636 = arith.constant 0 : i32
    %dma_wait3A_637 = arith.constant 0 : i32
    %dma_wait3A_638 = tpu.memref_slice %arg6[%dma_wait3A_634, %dma_wait3A_636, %dma_wait3A_637] : memref<4x80x128xf32, #tpu.memory_space<vmem>> -> memref<1x80x128xf32, #tpu.memory_space<vmem>>
    %dma_wait3A_639 = tpu.memref_squeeze %dma_wait3A_638 : memref<1x80x128xf32, #tpu.memory_space<vmem>> -> memref<80x128xf32, #tpu.memory_space<vmem>>
    %dma_wait3A_640 = arith.constant 0 : i32
    %dma_wait3A_641 = tpu.memref_slice %arg7[%dma_wait3A_635, %dma_wait3A_640] : memref<4x80xi32, #tpu.memory_space<vmem>> -> memref<1x80xi32, #tpu.memory_space<vmem>>
    %dma_wait3A_642 = tpu.memref_squeeze %dma_wait3A_641 : memref<1x80xi32, #tpu.memory_space<vmem>> -> memref<80xi32, #tpu.memory_space<vmem>>
    %dma_wait3A_643 = arith.constant 0 : i32
    %dma_wait3A_644 = arith.constant 0 : i32
    %dma_wait3A_645 = tpu.memref_slice %arg9[%dma_wait3A_643, %dma_wait3A_644] : memref<10000x128xf32, #tpu.memory_space<vmem_shared>> -> memref<10000x128xf32, #tpu.memory_space<vmem_shared>>
    tpu.wait_indirect_dma semaphore(%arg14 : memref<!tpu.dma_semaphore, #tpu.memory_space<semaphore_mem>>) src(%dma_wait3A_639 : memref<80x128xf32, #tpu.memory_space<vmem>>) dst(%dma_wait3A_645 : memref<10000x128xf32, #tpu.memory_space<vmem_shared>>)
    %dma_start3A_646 = arith.constant 3 : i32
    %dma_start3A_647 = arith.constant 3 : i32
    %dma_start3A_648 = arith.constant 0 : i32
    %dma_start3A_649 = arith.constant 0 : i32
    %dma_start3A_650 = tpu.memref_slice %arg6[%dma_start3A_646, %dma_start3A_648, %dma_start3A_649] : memref<4x80x128xf32, #tpu.memory_space<vmem>> -> memref<1x80x128xf32, #tpu.memory_space<vmem>>
    %dma_start3A_651 = tpu.memref_squeeze %dma_start3A_650 : memref<1x80x128xf32, #tpu.memory_space<vmem>> -> memref<80x128xf32, #tpu.memory_space<vmem>>
    %dma_start3A_652 = arith.constant 0 : i32
    %dma_start3A_653 = tpu.memref_slice %arg7[%dma_start3A_647, %dma_start3A_652] : memref<4x80xi32, #tpu.memory_space<vmem>> -> memref<1x80xi32, #tpu.memory_space<vmem>>
    %dma_start3A_654 = tpu.memref_squeeze %dma_start3A_653 : memref<1x80xi32, #tpu.memory_space<vmem>> -> memref<80xi32, #tpu.memory_space<vmem>>
    %dma_start3A_655 = arith.constant 0 : i32
    %dma_start3A_656 = arith.constant 0 : i32
    %dma_start3A_657 = tpu.memref_slice %arg9[%dma_start3A_655, %dma_start3A_656] : memref<10000x128xf32, #tpu.memory_space<vmem_shared>> -> memref<10000x128xf32, #tpu.memory_space<vmem_shared>>
    tpu.enqueue_indirect_dma source(%dma_start3A_651 : memref<80x128xf32, #tpu.memory_space<vmem>>) target(%dma_start3A_657 : memref<10000x128xf32, #tpu.memory_space<vmem_shared>>) offsets(%dma_start3A_654 : memref<80xi32, #tpu.memory_space<vmem>>) semaphore(%arg15 : memref<!tpu.dma_semaphore, #tpu.memory_space<semaphore_mem>>) {add = true}
    %add3A_658 = arith.constant 3968 : i32
    %add3A_659 = arith.addi %add3A_658, %add3A : i32
    %mul3A_660 = arith.constant 80 : i32
    %mul3A_661 = arith.muli %add3A_659, %mul3A_660 : i32
    %dma_wait3A_662 = arith.constant 0 : i32
    %dma_wait3A_663 = arith.constant 0 : i32
    %dma_wait3A_664 = arith.constant 0 : i32
    %dma_wait3A_665 = tpu.memref_slice %arg6[%dma_wait3A_662, %dma_wait3A_663, %dma_wait3A_664] : memref<4x80x128xf32, #tpu.memory_space<vmem>> -> memref<1x80x128xf32, #tpu.memory_space<vmem>>
    %dma_wait3A_666 = tpu.memref_squeeze %dma_wait3A_665 : memref<1x80x128xf32, #tpu.memory_space<vmem>> -> memref<80x128xf32, #tpu.memory_space<vmem>>
    %dma_wait3A_667 = arith.constant 0 : i32
    %dma_wait3A_668 = tpu.memref_slice %arg2[%mul3A_661, %dma_wait3A_667] : memref<320000x128xf32, #tpu.memory_space<hbm>> -> memref<80x128xf32, #tpu.memory_space<hbm>>
    %dma_wait3A_669 = arith.constant 0 : i32
    %dma_wait3A_670 = arith.constant 0 : i32
    %dma_wait3A_671 = tpu.memref_slice %arg6[%dma_wait3A_662, %dma_wait3A_669, %dma_wait3A_670] : memref<4x80x128xf32, #tpu.memory_space<vmem>> -> memref<1x80x128xf32, #tpu.memory_space<vmem>>
    %dma_wait3A_672 = tpu.memref_squeeze %dma_wait3A_671 : memref<1x80x128xf32, #tpu.memory_space<vmem>> -> memref<80x128xf32, #tpu.memory_space<vmem>>
    %dma_wait3A_673 = arith.constant 0 : i32
    %dma_wait3A_674 = tpu.memref_slice %arg2[%mul3A_661, %dma_wait3A_673] : memref<320000x128xf32, #tpu.memory_space<hbm>> -> memref<80x128xf32, #tpu.memory_space<hbm>>
    tpu.wait_dma2 semaphore(%arg10 : memref<!tpu.dma_semaphore, #tpu.memory_space<semaphore_mem>>) src(%dma_wait3A_674 : memref<80x128xf32, #tpu.memory_space<hbm>>) dst(%dma_wait3A_672 : memref<80x128xf32, #tpu.memory_space<vmem>>)
    %dma_wait3A_675 = arith.constant 0 : i32
    %dma_wait3A_676 = arith.constant 0 : i32
    %dma_wait3A_677 = tpu.memref_slice %arg7[%dma_wait3A_675, %dma_wait3A_676] : memref<4x80xi32, #tpu.memory_space<vmem>> -> memref<1x80xi32, #tpu.memory_space<vmem>>
    %dma_wait3A_678 = tpu.memref_squeeze %dma_wait3A_677 : memref<1x80xi32, #tpu.memory_space<vmem>> -> memref<80xi32, #tpu.memory_space<vmem>>
    %dma_wait3A_679 = tpu.memref_slice %arg3[%mul3A_661] : memref<320000xi32, #tpu.memory_space<hbm>> -> memref<80xi32, #tpu.memory_space<hbm>>
    %dma_wait3A_680 = arith.constant 0 : i32
    %dma_wait3A_681 = tpu.memref_slice %arg7[%dma_wait3A_675, %dma_wait3A_680] : memref<4x80xi32, #tpu.memory_space<vmem>> -> memref<1x80xi32, #tpu.memory_space<vmem>>
    %dma_wait3A_682 = tpu.memref_squeeze %dma_wait3A_681 : memref<1x80xi32, #tpu.memory_space<vmem>> -> memref<80xi32, #tpu.memory_space<vmem>>
    %dma_wait3A_683 = tpu.memref_slice %arg3[%mul3A_661] : memref<320000xi32, #tpu.memory_space<hbm>> -> memref<80xi32, #tpu.memory_space<hbm>>
    tpu.wait_dma2 semaphore(%arg10 : memref<!tpu.dma_semaphore, #tpu.memory_space<semaphore_mem>>) src(%dma_wait3A_683 : memref<80xi32, #tpu.memory_space<hbm>>) dst(%dma_wait3A_682 : memref<80xi32, #tpu.memory_space<vmem>>)
    %dma_wait3A_684 = arith.constant 3 : i32
    %dma_wait3A_685 = arith.constant 3 : i32
    %dma_wait3A_686 = arith.constant 0 : i32
    %dma_wait3A_687 = arith.constant 0 : i32
    %dma_wait3A_688 = tpu.memref_slice %arg6[%dma_wait3A_684, %dma_wait3A_686, %dma_wait3A_687] : memref<4x80x128xf32, #tpu.memory_space<vmem>> -> memref<1x80x128xf32, #tpu.memory_space<vmem>>
    %dma_wait3A_689 = tpu.memref_squeeze %dma_wait3A_688 : memref<1x80x128xf32, #tpu.memory_space<vmem>> -> memref<80x128xf32, #tpu.memory_space<vmem>>
    %dma_wait3A_690 = arith.constant 0 : i32
    %dma_wait3A_691 = tpu.memref_slice %arg7[%dma_wait3A_685, %dma_wait3A_690] : memref<4x80xi32, #tpu.memory_space<vmem>> -> memref<1x80xi32, #tpu.memory_space<vmem>>
    %dma_wait3A_692 = tpu.memref_squeeze %dma_wait3A_691 : memref<1x80xi32, #tpu.memory_space<vmem>> -> memref<80xi32, #tpu.memory_space<vmem>>
    %dma_wait3A_693 = arith.constant 0 : i32
    %dma_wait3A_694 = arith.constant 0 : i32
    %dma_wait3A_695 = tpu.memref_slice %arg9[%dma_wait3A_693, %dma_wait3A_694] : memref<10000x128xf32, #tpu.memory_space<vmem_shared>> -> memref<10000x128xf32, #tpu.memory_space<vmem_shared>>
    tpu.wait_indirect_dma semaphore(%arg15 : memref<!tpu.dma_semaphore, #tpu.memory_space<semaphore_mem>>) src(%dma_wait3A_689 : memref<80x128xf32, #tpu.memory_space<vmem>>) dst(%dma_wait3A_695 : memref<10000x128xf32, #tpu.memory_space<vmem_shared>>)
    %dma_start3A_696 = arith.constant 0 : i32
    %dma_start3A_697 = arith.constant 0 : i32
    %dma_start3A_698 = arith.constant 0 : i32
    %dma_start3A_699 = arith.constant 0 : i32
    %dma_start3A_700 = tpu.memref_slice %arg6[%dma_start3A_696, %dma_start3A_698, %dma_start3A_699] : memref<4x80x128xf32, #tpu.memory_space<vmem>> -> memref<1x80x128xf32, #tpu.memory_space<vmem>>
    %dma_start3A_701 = tpu.memref_squeeze %dma_start3A_700 : memref<1x80x128xf32, #tpu.memory_space<vmem>> -> memref<80x128xf32, #tpu.memory_space<vmem>>
    %dma_start3A_702 = arith.constant 0 : i32
    %dma_start3A_703 = tpu.memref_slice %arg7[%dma_start3A_697, %dma_start3A_702] : memref<4x80xi32, #tpu.memory_space<vmem>> -> memref<1x80xi32, #tpu.memory_space<vmem>>
    %dma_start3A_704 = tpu.memref_squeeze %dma_start3A_703 : memref<1x80xi32, #tpu.memory_space<vmem>> -> memref<80xi32, #tpu.memory_space<vmem>>
    %dma_start3A_705 = arith.constant 0 : i32
    %dma_start3A_706 = arith.constant 0 : i32
    %dma_start3A_707 = tpu.memref_slice %arg9[%dma_start3A_705, %dma_start3A_706] : memref<10000x128xf32, #tpu.memory_space<vmem_shared>> -> memref<10000x128xf32, #tpu.memory_space<vmem_shared>>
    tpu.enqueue_indirect_dma source(%dma_start3A_701 : memref<80x128xf32, #tpu.memory_space<vmem>>) target(%dma_start3A_707 : memref<10000x128xf32, #tpu.memory_space<vmem_shared>>) offsets(%dma_start3A_704 : memref<80xi32, #tpu.memory_space<vmem>>) semaphore(%arg14 : memref<!tpu.dma_semaphore, #tpu.memory_space<semaphore_mem>>) {add = true}
    %dma_wait3A_708 = arith.constant 0 : i32
    %dma_wait3A_709 = arith.constant 0 : i32
    %dma_wait3A_710 = arith.constant 0 : i32
    %dma_wait3A_711 = arith.constant 0 : i32
    %dma_wait3A_712 = tpu.memref_slice %arg6[%dma_wait3A_708, %dma_wait3A_710, %dma_wait3A_711] : memref<4x80x128xf32, #tpu.memory_space<vmem>> -> memref<1x80x128xf32, #tpu.memory_space<vmem>>
    %dma_wait3A_713 = tpu.memref_squeeze %dma_wait3A_712 : memref<1x80x128xf32, #tpu.memory_space<vmem>> -> memref<80x128xf32, #tpu.memory_space<vmem>>
    %dma_wait3A_714 = arith.constant 0 : i32
    %dma_wait3A_715 = tpu.memref_slice %arg7[%dma_wait3A_709, %dma_wait3A_714] : memref<4x80xi32, #tpu.memory_space<vmem>> -> memref<1x80xi32, #tpu.memory_space<vmem>>
    %dma_wait3A_716 = tpu.memref_squeeze %dma_wait3A_715 : memref<1x80xi32, #tpu.memory_space<vmem>> -> memref<80xi32, #tpu.memory_space<vmem>>
    %dma_wait3A_717 = arith.constant 0 : i32
    %dma_wait3A_718 = arith.constant 0 : i32
    %dma_wait3A_719 = tpu.memref_slice %arg9[%dma_wait3A_717, %dma_wait3A_718] : memref<10000x128xf32, #tpu.memory_space<vmem_shared>> -> memref<10000x128xf32, #tpu.memory_space<vmem_shared>>
    tpu.wait_indirect_dma semaphore(%arg14 : memref<!tpu.dma_semaphore, #tpu.memory_space<semaphore_mem>>) src(%dma_wait3A_713 : memref<80x128xf32, #tpu.memory_space<vmem>>) dst(%dma_wait3A_719 : memref<10000x128xf32, #tpu.memory_space<vmem_shared>>)
    %barrier3A_720 = arith.constant 0 : index
    tpu.barrier barrier_id(%barrier3A_720)
    %eq3A_721 = arith.constant 0 : i32
    %eq3A_722 = arith.cmpi eq, %arg0, %eq3A_721 : i32
    %lt3A = arith.constant 15 : i32
    %lt3A_723 = arith.cmpi slt, %arg1, %lt3A : i32
    %and3A = arith.andi %eq3A_722, %lt3A_723 : i1
    %convert_element_type3A = arith.extui %and3A : i1 to i32
    %cond3A = arith.constant 0 : i32
    %cond3A_724 = arith.cmpi ne, %convert_element_type3A, %cond3A : i32
    scf.if %cond3A_724 {
      "tpu.region"() ({
        %run_scoped3A = tpu.sem_alloc : memref<!tpu.dma_semaphore, #tpu.memory_space<semaphore_mem>>
        %dma_start3A_749 = arith.constant 0 : i32
        %dma_start3A_750 = tpu.memref_slice %arg4[%mul3A_86, %dma_start3A_749] : memref<10000x128xf32, #tpu.memory_space<hbm>> -> memref<624x128xf32, #tpu.memory_space<hbm>>
        %dma_start3A_751 = arith.constant 0 : i32
        %dma_start3A_752 = tpu.memref_slice %arg9[%mul3A_86, %dma_start3A_751] : memref<10000x128xf32, #tpu.memory_space<vmem_shared>> -> memref<624x128xf32, #tpu.memory_space<vmem_shared>>
        tpu.enqueue_dma source(%dma_start3A_752 : memref<624x128xf32, #tpu.memory_space<vmem_shared>>) target(%dma_start3A_750 : memref<624x128xf32, #tpu.memory_space<hbm>>) target_semaphore(%run_scoped3A : memref<!tpu.dma_semaphore, #tpu.memory_space<semaphore_mem>>)
        %dma_wait3A_753 = arith.constant 0 : i32
        %dma_wait3A_754 = tpu.memref_slice %arg4[%mul3A_86, %dma_wait3A_753] : memref<10000x128xf32, #tpu.memory_space<hbm>> -> memref<624x128xf32, #tpu.memory_space<hbm>>
        %dma_wait3A_755 = arith.constant 0 : i32
        %dma_wait3A_756 = tpu.memref_slice %arg9[%mul3A_86, %dma_wait3A_755] : memref<10000x128xf32, #tpu.memory_space<vmem_shared>> -> memref<624x128xf32, #tpu.memory_space<vmem_shared>>
        tpu.wait_dma2 semaphore(%run_scoped3A : memref<!tpu.dma_semaphore, #tpu.memory_space<semaphore_mem>>) src(%dma_wait3A_756 : memref<624x128xf32, #tpu.memory_space<vmem_shared>>) dst(%dma_wait3A_754 : memref<624x128xf32, #tpu.memory_space<hbm>>)
        tpu.yield
      }) : () -> ()
    } else {
    }
    %eq3A_725 = arith.constant 0 : i32
    %eq3A_726 = arith.cmpi eq, %arg0, %eq3A_725 : i32
    %eq3A_727 = arith.constant 15 : i32
    %eq3A_728 = arith.cmpi eq, %arg1, %eq3A_727 : i32
    %and3A_729 = arith.andi %eq3A_726, %eq3A_728 : i1
    %convert_element_type3A_730 = arith.extui %and3A_729 : i1 to i32
    %cond3A_731 = arith.constant 0 : i32
    %cond3A_732 = arith.cmpi ne, %convert_element_type3A_730, %cond3A_731 : i32
    scf.if %cond3A_732 {
      "tpu.region"() ({
        %run_scoped3A = tpu.sem_alloc : memref<!tpu.dma_semaphore, #tpu.memory_space<semaphore_mem>>
        %dma_start3A_749 = arith.constant 0 : i32
        %dma_start3A_750 = tpu.memref_slice %arg4[%mul3A_86, %dma_start3A_749] : memref<10000x128xf32, #tpu.memory_space<hbm>> -> memref<640x128xf32, #tpu.memory_space<hbm>>
        %dma_start3A_751 = arith.constant 0 : i32
        %dma_start3A_752 = tpu.memref_slice %arg9[%mul3A_86, %dma_start3A_751] : memref<10000x128xf32, #tpu.memory_space<vmem_shared>> -> memref<640x128xf32, #tpu.memory_space<vmem_shared>>
        tpu.enqueue_dma source(%dma_start3A_752 : memref<640x128xf32, #tpu.memory_space<vmem_shared>>) target(%dma_start3A_750 : memref<640x128xf32, #tpu.memory_space<hbm>>) target_semaphore(%run_scoped3A : memref<!tpu.dma_semaphore, #tpu.memory_space<semaphore_mem>>)
        %dma_wait3A_753 = arith.constant 0 : i32
        %dma_wait3A_754 = tpu.memref_slice %arg4[%mul3A_86, %dma_wait3A_753] : memref<10000x128xf32, #tpu.memory_space<hbm>> -> memref<640x128xf32, #tpu.memory_space<hbm>>
        %dma_wait3A_755 = arith.constant 0 : i32
        %dma_wait3A_756 = tpu.memref_slice %arg9[%mul3A_86, %dma_wait3A_755] : memref<10000x128xf32, #tpu.memory_space<vmem_shared>> -> memref<640x128xf32, #tpu.memory_space<vmem_shared>>
        tpu.wait_dma2 semaphore(%run_scoped3A : memref<!tpu.dma_semaphore, #tpu.memory_space<semaphore_mem>>) src(%dma_wait3A_756 : memref<640x128xf32, #tpu.memory_space<vmem_shared>>) dst(%dma_wait3A_754 : memref<640x128xf32, #tpu.memory_space<hbm>>)
        tpu.yield
      }) : () -> ()
    } else {
    }
    %eq3A_733 = arith.constant 1 : i32
    %eq3A_734 = arith.cmpi eq, %arg0, %eq3A_733 : i32
    %lt3A_735 = arith.constant 15 : i32
    %lt3A_736 = arith.cmpi slt, %arg1, %lt3A_735 : i32
    %and3A_737 = arith.andi %eq3A_734, %lt3A_736 : i1
    %convert_element_type3A_738 = arith.extui %and3A_737 : i1 to i32
    %cond3A_739 = arith.constant 0 : i32
    %cond3A_740 = arith.cmpi ne, %convert_element_type3A_738, %cond3A_739 : i32
    scf.if %cond3A_740 {
      "tpu.region"() ({
        %run_scoped3A = tpu.sem_alloc : memref<!tpu.dma_semaphore, #tpu.memory_space<semaphore_mem>>
        %dma_start3A_749 = arith.constant 0 : i32
        %dma_start3A_750 = tpu.memref_slice %arg5[%mul3A_86, %dma_start3A_749] : memref<10000x128xf32, #tpu.memory_space<hbm>> -> memref<624x128xf32, #tpu.memory_space<hbm>>
        %dma_start3A_751 = arith.constant 0 : i32
        %dma_start3A_752 = tpu.memref_slice %arg9[%mul3A_86, %dma_start3A_751] : memref<10000x128xf32, #tpu.memory_space<vmem_shared>> -> memref<624x128xf32, #tpu.memory_space<vmem_shared>>
        tpu.enqueue_dma source(%dma_start3A_752 : memref<624x128xf32, #tpu.memory_space<vmem_shared>>) target(%dma_start3A_750 : memref<624x128xf32, #tpu.memory_space<hbm>>) target_semaphore(%run_scoped3A : memref<!tpu.dma_semaphore, #tpu.memory_space<semaphore_mem>>)
        %dma_wait3A_753 = arith.constant 0 : i32
        %dma_wait3A_754 = tpu.memref_slice %arg5[%mul3A_86, %dma_wait3A_753] : memref<10000x128xf32, #tpu.memory_space<hbm>> -> memref<624x128xf32, #tpu.memory_space<hbm>>
        %dma_wait3A_755 = arith.constant 0 : i32
        %dma_wait3A_756 = tpu.memref_slice %arg9[%mul3A_86, %dma_wait3A_755] : memref<10000x128xf32, #tpu.memory_space<vmem_shared>> -> memref<624x128xf32, #tpu.memory_space<vmem_shared>>
        tpu.wait_dma2 semaphore(%run_scoped3A : memref<!tpu.dma_semaphore, #tpu.memory_space<semaphore_mem>>) src(%dma_wait3A_756 : memref<624x128xf32, #tpu.memory_space<vmem_shared>>) dst(%dma_wait3A_754 : memref<624x128xf32, #tpu.memory_space<hbm>>)
        tpu.yield
      }) : () -> ()
    } else {
    }
    %eq3A_741 = arith.constant 1 : i32
    %eq3A_742 = arith.cmpi eq, %arg0, %eq3A_741 : i32
    %eq3A_743 = arith.constant 15 : i32
    %eq3A_744 = arith.cmpi eq, %arg1, %eq3A_743 : i32
    %and3A_745 = arith.andi %eq3A_742, %eq3A_744 : i1
    %convert_element_type3A_746 = arith.extui %and3A_745 : i1 to i32
    %cond3A_747 = arith.constant 0 : i32
    %cond3A_748 = arith.cmpi ne, %convert_element_type3A_746, %cond3A_747 : i32
    scf.if %cond3A_748 {
      "tpu.region"() ({
        %run_scoped3A = tpu.sem_alloc : memref<!tpu.dma_semaphore, #tpu.memory_space<semaphore_mem>>
        %dma_start3A_749 = arith.constant 0 : i32
        %dma_start3A_750 = tpu.memref_slice %arg5[%mul3A_86, %dma_start3A_749] : memref<10000x128xf32, #tpu.memory_space<hbm>> -> memref<640x128xf32, #tpu.memory_space<hbm>>
        %dma_start3A_751 = arith.constant 0 : i32
        %dma_start3A_752 = tpu.memref_slice %arg9[%mul3A_86, %dma_start3A_751] : memref<10000x128xf32, #tpu.memory_space<vmem_shared>> -> memref<640x128xf32, #tpu.memory_space<vmem_shared>>
        tpu.enqueue_dma source(%dma_start3A_752 : memref<640x128xf32, #tpu.memory_space<vmem_shared>>) target(%dma_start3A_750 : memref<640x128xf32, #tpu.memory_space<hbm>>) target_semaphore(%run_scoped3A : memref<!tpu.dma_semaphore, #tpu.memory_space<semaphore_mem>>)
        %dma_wait3A_753 = arith.constant 0 : i32
        %dma_wait3A_754 = tpu.memref_slice %arg5[%mul3A_86, %dma_wait3A_753] : memref<10000x128xf32, #tpu.memory_space<hbm>> -> memref<640x128xf32, #tpu.memory_space<hbm>>
        %dma_wait3A_755 = arith.constant 0 : i32
        %dma_wait3A_756 = tpu.memref_slice %arg9[%mul3A_86, %dma_wait3A_755] : memref<10000x128xf32, #tpu.memory_space<vmem_shared>> -> memref<640x128xf32, #tpu.memory_space<vmem_shared>>
        tpu.wait_dma2 semaphore(%run_scoped3A : memref<!tpu.dma_semaphore, #tpu.memory_space<semaphore_mem>>) src(%dma_wait3A_756 : memref<640x128xf32, #tpu.memory_space<vmem_shared>>) dst(%dma_wait3A_754 : memref<640x128xf32, #tpu.memory_space<hbm>>)
        tpu.yield
      }) : () -> ()
    } else {
    }
    return
  }
}

module attributes {stable_mosaic.version = 14 : i64} {
  func.func @_combine_body(%arg0: i32, %arg1: memref<2000x128xf32, #tpu.memory_space<vmem>>, %arg2: memref<2000x128xf32, #tpu.memory_space<vmem>>, %arg3: memref<2000x128xf32, #tpu.memory_space<vmem>>) attributes {dimension_semantics = [#tpu.dimension_semantics<arbitrary>], iteration_bounds = array<i64: 5>, scalar_prefetch = 0 : i64, scratch_operands = 0 : i64, tpu.core_type = #tpu.core_type<tc>, window_params = [{transform_indices = @transform_0, window_bounds = array<i64: 2000, 128>}, {transform_indices = @transform_1, window_bounds = array<i64: 2000, 128>}, {transform_indices = @transform_2, window_bounds = array<i64: 2000, 128>}]} {
    %get3A = arith.constant 0 : index
    %get3A_0 = arith.constant 0 : index
    %get3A_1 = vector.load %arg1[%get3A, %get3A_0] : memref<2000x128xf32, #tpu.memory_space<vmem>>, vector<2000x128xf32>
    %get3A_2 = arith.constant 0 : index
    %get3A_3 = arith.constant 0 : index
    %get3A_4 = vector.load %arg2[%get3A_2, %get3A_3] : memref<2000x128xf32, #tpu.memory_space<vmem>>, vector<2000x128xf32>
    %add3A = arith.addf %get3A_1, %get3A_4 : vector<2000x128xf32>
    %swap3A = arith.constant 0 : index
    %swap3A_5 = arith.constant 0 : index
    %swap3A_6 = vector.load %arg3[%swap3A, %swap3A_5] : memref<2000x128xf32, #tpu.memory_space<vmem>>, vector<2000x128xf32>
    tpu.vector_store %arg3[%swap3A, %swap3A_5], %add3A {strides = array<i32>} : memref<2000x128xf32, #tpu.memory_space<vmem>>, vector<2000x128xf32>,
    return
  }
  func.func @transform_0(%arg0: i32) -> (i32, i32) {
    %c0_i32 = arith.constant 0 : i32
    %c0_i32_0 = arith.constant 0 : i32
    return %arg0, %c0_i32 : i32, i32
  }
  func.func @transform_1(%arg0: i32) -> (i32, i32) {
    %c0_i32 = arith.constant 0 : i32
    %c0_i32_0 = arith.constant 0 : i32
    return %arg0, %c0_i32 : i32, i32
  }
  func.func @transform_2(%arg0: i32) -> (i32, i32) {
    %c0_i32 = arith.constant 0 : i32
    %c0_i32_0 = arith.constant 0 : i32
    return %arg0, %c0_i32 : i32, i32
  }
}

</mosaic_0001>

<sc_bundles>
// kernel: kernel.4.cloned.1.call-start
scs
__scs_entry_jumppad:
0x0: {  	(pc) =	sbr.rel $0x88, $3  }
0x1: {  	(tag) =	ssettag $0x0;
	lr =	simm.s32 $0x1  }
0x2: {  	[smem:$0x3F9F] =	sst lr;
	_ =	strace $0xD0000000  }
0x3: {  	_ = 	snop  }
0x4: {  	_ = 	snop  }
0x5: {  	_ = 	snop  }
0x6: {  	_ = 	snop  }
0x7: {  	_ = 	snop  }
__scs_overlays_trampoline_lowered:
0x8: {  	[smem:$0x3FAE] =	sst s0  }
0x9: {  	[smem:$0x3FAF] =	sst s1  }
0xa: {  	[smem:$0x3FB0] =	sst s2  }
0xb: {  	[smem:$0x3FB1] =	sst s3  }
0xc: {  	[smem:$0x3FB2] =	sst s4  }
0xd: {  	[smem:$0x3FB3] =	sst s5  }
0xe: {  	[smem:$0x3FB4] =	sst s6  }
0xf: {  	[smem:$0x3FB5] =	sst s7  }
0x10: {  	[smem:$0x3FB6] =	sst s8  }
0x11: {  	[smem:$0x3FB7] =	sst s9;
	s0 =	simm.s32 @!p0 $0x0  }
0x12: {  	s1 =	sld [smem:$0x3F9D];
	s0 =	simm.s32 @p0 $0x1  }
0x13: {  	[smem:$0x3FB8] =	sst s0;
	s0 =	simm.s32 @!p1 $0x0  }
0x14: {  	s2 =	sld [smem:$0x3F9C];
	s0 =	simm.s32 @p1 $0x1  }
0x15: {  	[smem:$0x3FB9] =	sst s0;
	s0 =	simm.s32 @!p2 $0x0  }
0x16: {  	s3 =	sld [smem:$0x3FDB];
	s0 =	simm.s32 @p2 $0x1  }
0x17: {  	s4 =	simm.s32 $0x1BF5;
	[smem:$0x3FBB] =	sst s0  }
0x18: {  	s0 =	sld [smem:$0x3F9E];
	_ =	swait.ge [sflag:s4], $0x0  }
0x19: {  	s7 =	sld [smem:$0x3F9F]  }
0x1a: {  	s8 =	sadd.s32 $0xFFFFE003, lr  }
0x1b: {  	s9 =	sadd.s32 $0xFFFFFEF7, lr;
	s5 =	simm.s32 $0xFFFFFFFF;
	p2 =	slt.u32 s8, $0xFFFFF086  }
0x1c: {  	p1 =	slt.u32 s9, $0xF7A;
	s5 =	simm.s32 @!p2 $0x0  }
0x1d: {  	s5 =	simm.s32 @p1 $0x1;
	p0 =	seq.s32 s7, s2  }
0x1e: {  	s7 =	smul.u32 @!p0 $0xF7A, s2;
	p2 =	seq.s32 @!p0 s5, $0x0  }
0x1f: {  	s9 =	smul.u32 $0xF7A, s1;
	s8 =	simm.s32 @!p0 $0x1BF5;
	p2 =	por !p2, p0  }
0x20: {  	[sflag:s8] =	ssyncset.s32 @!p0 $0xFFFFF086;
	s6 =	sadd.s32 @!p0 s3, s7;
	s7 =	simm.s32 @!p0 $0x108  }
0x21: {  	s3 =	sadd.s32 s3, s9;
	s6 =	sadd.s32 @!p0 $0x88, s6;
	s7 =	simm.s32 @p2 $0x1082  }
0x22: {  	[simem:s7], [sflag:s8] =	dma.local @!p0 [hbm:s6], $0xF7A  }
0x23: {  	s9 =	sor.u32 $0xD0000000, s2;
	s6 =	simm.s32 $0x108;
	_ =	swait.ge @!p0 [sflag:s8], $0x0  }
0x24: {  	s3 =	sadd.s32 $0x88, s3;
	s6 =	simm.s32 @!p1 $0x1082;
	[sflag:s4] =	ssyncset.s32 $0xFFFFF086  }
0x25: {  	[simem:s6], [sflag:s4] =	dma.local [hbm:s3], $0xF7A  }
0x26: {  	[smem:$0x3F9F] =	sst s1;
	(tag) =	ssettag s2;
	_ =	strace s9  }
0x27: {  	s1 =	sld [smem:$0x3FAF]  }
0x28: {  	s2 =	sld [smem:$0x3FB0]  }
0x29: {  	s4 =	sld [smem:$0x3FB2]  }
0x2a: {  	p0 =	seq.s32 s5, $0x0;
	s5 =	sld [smem:$0x3FB3]  }
0x2b: {  	s6 =	sld [smem:$0x3FB4]  }
0x2c: {  	s7 =	sld [smem:$0x3FB5]  }
0x2d: {  	s3 =	simm.s32 $0x108;
	s8 =	sld [smem:$0x3FB6]  }
0x2e: {  	s3 =	simm.s32 @!p0 $0x1082;
	s9 =	sld [smem:$0x3FB7]  }
0x2f: {  	lr =	sadd.s32 s0, s3;
	s0 =	sld [smem:$0x3FAE]  }
0x30: {  	s3 =	sld [smem:$0x3FB1]  }
0x31: {  	[smem:$0x3FBA] =	sst s10  }
0x32: {  	s10 =	sld [smem:$0x3FB8];
	_ =	sdelay $0x3  }
0x33: {  	p0 =	seq.s32 s10, $0x1;
	s10 =	sld [smem:$0x3FBA];
	_ =	sdelay $0x3  }
0x34: {  	[smem:$0x3FBA] =	sst s10  }
0x35: {  	s10 =	sld [smem:$0x3FB9];
	_ =	sdelay $0x3  }
0x36: {  	p1 =	seq.s32 s10, $0x1;
	s10 =	sld [smem:$0x3FBA];
	_ =	sdelay $0x3  }
0x37: {  	[smem:$0x3FBA] =	sst s10  }
0x38: {  	s10 =	sld [smem:$0x3FBB]  }
0x39: {  	_ = 	snop;
	(pc) =	sbr.ind lr, $3  }
0x3a: {  	_ = 	snop  }
0x3b: {  	_ = 	snop  }
0x3c: {  	p2 =	seq.s32 s10, $0x1;
	s10 =	sld [smem:$0x3FBA]  }
0x3d: {  	_ =	shalt  }
0x3e: {  	_ =	shalt  }
0x3f: {  	_ =	shalt  }
0x40: {  	_ =	shalt  }
0x41: {  	_ =	shalt  }
0x42: {  	_ =	shalt  }
0x43: {  	_ =	shalt  }
0x44: {  	_ =	shalt  }
0x45: {  	_ =	shalt  }
0x46: {  	_ =	shalt  }
0x47: {  	_ =	shalt  }
0x48: {  	_ =	shalt  }
0x49: {  	_ =	shalt  }
0x4a: {  	_ =	shalt  }
0x4b: {  	_ =	shalt  }
0x4c: {  	_ =	shalt  }
0x4d: {  	_ =	shalt  }
0x4e: {  	_ =	shalt  }
0x4f: {  	_ =	shalt  }
0x50: {  	_ =	shalt  }
0x51: {  	_ =	shalt  }
0x52: {  	_ =	shalt  }
0x53: {  	_ =	shalt  }
0x54: {  	_ =	shalt  }
0x55: {  	_ =	shalt  }
0x56: {  	_ =	shalt  }
0x57: {  	_ =	shalt  }
0x58: {  	_ =	shalt  }
0x59: {  	_ =	shalt  }
0x5a: {  	_ =	shalt  }
0x5b: {  	_ =	shalt  }
0x5c: {  	_ =	shalt  }
0x5d: {  	_ =	shalt  }
0x5e: {  	_ =	shalt  }
0x5f: {  	_ =	shalt  }
0x60: {  	_ =	shalt  }
0x61: {  	_ =	shalt  }
0x62: {  	_ =	shalt  }
0x63: {  	_ =	shalt  }
0x64: {  	_ =	shalt  }
0x65: {  	_ =	shalt  }
0x66: {  	_ =	shalt  }
0x67: {  	_ =	shalt  }
0x68: {  	_ =	shalt  }
0x69: {  	_ =	shalt  }
0x6a: {  	_ =	shalt  }
0x6b: {  	_ =	shalt  }
0x6c: {  	_ =	shalt  }
0x6d: {  	_ =	shalt  }
0x6e: {  	_ =	shalt  }
0x6f: {  	_ =	shalt  }
0x70: {  	_ =	shalt  }
0x71: {  	_ =	shalt  }
0x72: {  	_ =	shalt  }
0x73: {  	_ =	shalt  }
0x74: {  	_ =	shalt  }
0x75: {  	_ =	shalt  }
0x76: {  	_ =	shalt  }
0x77: {  	_ =	shalt  }
0x78: {  	_ =	shalt  }
0x79: {  	_ =	shalt  }
0x7a: {  	_ =	shalt  }
0x7b: {  	_ =	shalt  }
0x7c: {  	_ =	shalt  }
0x7d: {  	_ =	shalt  }
0x7e: {  	_ =	shalt  }
0x7f: {  	_ =	shalt  }
0x80: {  	_ =	shalt  }
0x81: {  	_ =	shalt  }
0x82: {  	_ =	shalt  }
0x83: {  	_ =	shalt  }
0x84: {  	_ =	shalt  }
0x85: {  	_ =	shalt  }
0x86: {  	_ =	shalt  }
0x87: {  	_ =	shalt  }
.Lfunc_end0:
.L_simem_size_0:
called_computation_lowered:
.L_overlay_start_0:
0x88: {  	s2 =	sld [smem:$0x3FD9]  }
0x89: {  	s3 =	sld [smem:$0x3FFE];
	_ =	sdelay $0x1  }
0x8a: {  	s1 =	srdreg.scid  }
0x8b: {  	s0 =	sand.u32 $0x1, s1  }
0x8c: {  	s17 =	sshll.u32 s0, $0xA;
	s2 =	sadd.s32 s3, s2  }
0x8d: {  	s2 =	sadd.s32 s2, s17  }
0x8e: {  	[smem:$0x3FC6] =	sst s2  }
0x8f: {  	_ = 	snop  }
0x90: {  	s2 =	sld [smem:$0x3FC9]  }
0x91: {  	s18 =	sld [smem:$0x3FC8]  }
0x92: {  	s4 =	sld [smem:$0x3FD0];
	(tm) =	ssettm $0x1  }
0x93: {  	s5 =	sld [smem:$0x3FFB];
	_ =	sdelay $0x3  }
0x94: {  	_ =	strace s5  }
0x95: {  	s5 =	sld [smem:$0x3FFC];
	_ =	sdelay $0x3  }
0x96: {  	_ =	strace s5  }
0x97: {  	s5 =	sld [smem:$0x3FFD];
	_ =	sdelay $0x3  }
0x98: {  	_ =	strace s5  }
0x99: {  	_ =	strace $0x8FFFFFFF  }
0x9a: {  	s19 =	sld [smem:$0x3FDB];
	_ =	sdelay $0x1  }
0x9b: {  	s6 =	simm.s32 $_scs_section_size  }
0x9c: {  	s7 =	simm.s32 $_size__tile_overlayer_lowered;
	s8 =	simm.s32 $_tile_overlayer_lowered  }
0x9d: {  	s22 =	simm.s32 $0x1BFF;
	s21 =	sshll.u32 s8, $0x1;
	s5 =	sadd.s32 s6, s19  }
0x9e: {  	s9 =	simm.s32 $0x0;
	s20 =	sshll.u32 s7, $0x1;
	s7 =	sadd.s32 s21, s5  }
0x9f: {  	[timem:s9], [sflag:s22] =	dma.local [hbm:s7], s20  }
0xa0: {  	_ =	swait.ge [sflag:s22], s20  }
0xa1: {  	s6 =	ssub.s32 $0x0, s20;
	[sflag:s22] =	ssyncset.done $0x0  }
0xa2: {  	[sflag:s22] =	ssyncadd.s32 s6;
	_ =	sdelay $0x1  }
0xa3: {  	s23 =	simm.s32 $0x1B8B  }
0xa4: {  	_ =	swait.ge [sflag:s23], $0x1  }
0xa5: {  	[sflag:s23] =	ssyncset.done $0x0  }
0xa6: {  	s25 =	simm.s32 $0x1B8E;
	s24 =	sld [smem:$0x3FFE];
	[sflag:s23] =	ssyncadd.s32 $0xFFFFFFFF  }
0xa7: {  	s26 =	simm.s32 $execute0_lowered;
	[smem:$0x3FD2] =	sst s25  }
0xa8: {  	s7 =	sshll.u32 s26, $0x1;
	_ =	strace $0x80000046;
	[dreg:$0x1] =	wrdreg $0xFFFFFFFF  }
0xa9: {  	s28 =	simm.s32 $_size_execute0_lowered;
	s5 =	sadd.s32 s5, s7;
	[dreg:$0x0] =	wrdreg $0x0  }
0xaa: {  	s7 =	sshll.u32 s28, $0x1;
	[dreg:$0x2] =	wrdreg s5  }
0xab: {  	[dreg:$0x3] =	wrdreg s7  }
0xac: {  	[dreg:$0x4] =	wrdreg $0xC0  }
0xad: {  	_ =	task [dreg:s9], $0x5FFFF  }
0xae: {  	[dreg:$0x1] =	wrdreg $0xFFFFFFFF  }
0xaf: {  	[dreg:$0x0] =	wrdreg $0x60  }
0xb0: {  	[dreg:$0x2] =	wrdreg s2  }
0xb1: {  	[dreg:$0x3] =	wrdreg s18  }
0xb2: {  	[dreg:$0x4] =	wrdreg s4  }
0xb3: {  	[dreg:$0x5] =	wrdreg s24  }
0xb4: {  	[dreg:$0x6] =	wrdreg $0xA6000  }
0xb5: {  	[dreg:$0x7] =	wrdreg $0x9  }
0xb6: {  	_ =	task.clear_ibuf [dreg:s9], $0x8FFFF;
	_ =	strace $0x90000046  }
0xb7: {  	s29 =	simm.s32 $0x9;
	_ =	strace $0x80000048  }
0xb8: {  	_ =	swait.ge [sflag:s29], $0x1  }
0xb9: {  	[sflag:s29] =	ssyncadd.s32 $0xFFFFFFFF  }
0xba: {  	_ =	strace $0x90000048  }
0xbb: {  	_ =	sfence  }
0xbc: {  	s30 =	sld [smem:$0x0];
	_ =	sdelay $0x2  }
0xbd: {  	s31 =	sshll.u32 s1, $0xD;
	s1 =	sshrl.u32 s1, $0x2  }
0xbe: {  	s3 =	sand.u32 $0x4000, s31;
	s1 =	sadd.s32 s1, s30  }
0xbf: {  	s0 =	sor.u32 s3, s0;
	s1 =	sshll.u32 s1, $0x11  }
0xc0: {  	s0 =	sor.u32 s1, s0  }
0xc1: {  	s0 =	sadd.s32 $0x8F2B, s0  }
0xc2: {  	[sflag:s0] =	ssyncadd.remote.s32 $0x1  }
0xc3: {  	_ =	sfence.sel $0xFFFF  }
0xc4: {  	[dreg:$0x0] =	wrdreg $0xFFFFFFFF;
	(pc) =	sbr.abs _section_cstart, $3  }
0xc5: {  	[dreg:$0x1] =	wrdreg $0xFFFFFFFF  }
0xc6: {  	_ =	task.clear_ibuf [dreg:s9], $0x2FFFF;
	_ =	strace $0x9FFFFFFF  }
0xc7: {  	(tm) =	ssettm $0x7FFFFFFF  }
tec
execute0_lowered:
.L_overlay_start_1:
0x0: {  	(tag) =	ssettag $0x1  }
0x1: {  	s11 =	stileid.u32;
	s4 =	rddreg [dreg:$0x0]  }
0x2: {  	s0 =	srdreg.scid;
	s5 =	rddreg [dreg:$0x1]  }
0x3: {  	s1 =	rddreg [dreg:$0x3];
	s28 =	simm.s32 $0xA080;
	s29 =	simm.s32 $0x5000  }
0x4: {  	s3 =	sand.u32 $0x1, s0;
	s24 =	sshll.u32 s11, $0x1;
	s0 =	rddreg [dreg:$0x2]  }
0x5: {  	p4 =	seq.s32 s11, $0xF;
	p2 =	sne.s32 s11, $0xF;
	s2 =	sor.u32 s3, s24  }
0x6: {  	s7 =	ssub.s32 $0x2, s3;
	p1 =	seq.s32 s3, $0x0;
	s6 =	smul.u32 $0x500, s2  }
0x7: {  	p3 =	seq.s32 s3, $0x1;
	s8 =	smul.u32 $0x50, s2;
	s9 =	sshrl.u32 s7, $0x1  }
0x8: {  	s10 =	smul.u32 $0xA, s2;
	p0 =	por !p1, !p2;
	p1 =	por !p1, !p4  }
0x9: {  	p2 =	por !p2, !p3;
	p3 =	por !p4, !p3;
	s2 =	ssub.s32 s7, s9  }
0xa: {  	p0 =	por !p0, !p0;
	p1 =	por !p1, !p1;
	p2 =	por !p2, !p2  }
0xb: {  	p3 =	por !p3, !p3;
	s6 =	sadd.s32 s4, s6;
	s25 =	sadd.s32 $0xA00, s8  }
0xc: {  	s26 =	sadd.s32 s5, s10;
	s10 =	sadd.s32 $0x1400, s8;
	s13 =	sadd.s32 $0x1E00, s8  }
0xd: {  	s16 =	sadd.s32 $0x2800, s8;
	s19 =	sadd.s32 $0x3200, s8;
	s21 =	sadd.s32 $0x3C00, s8  }
0xe: {  	s24 =	sadd.s32 $0x4CE00, s8;
	s8 =	sadd.s32 $0x4D800, s8;
	s30 =	smax.u32 s2, $0x1  }
0xf: {  	p3 =	por !p3, p2;
	s2 =	simm.s32 $0xA200;
	[dreg:$0x6] =	wrdreg s6  }
0x10: {  	[dreg:$0x7] =	wrdreg s26;
	s9 =	sshll.u32 s25, $0x4;
	s6 =	sshrl.u32 s25, $0x3  }
0x11: {  	s12 =	sshll.u32 s10, $0x4;
	s14 =	sshll.u32 s13, $0x4;
	s15 =	sshrl.u32 s13, $0x3  }
0x12: {  	s17 =	sshll.u32 s16, $0x4;
	s20 =	sshll.u32 s19, $0x4;
	s22 =	sshrl.u32 s21, $0x3  }
0x13: {  	s23 =	sshll.u32 s21, $0x4;
	s25 =	sshrl.u32 s24, $0x3;
	s26 =	smul.u32 $0x14, s11  }
0x14: {  	s13 =	smul.u32 $0xA, s3;
	s21 =	rddreg [dreg:$0x4];
	s7 =	sadd.s32 s4, s9  }
0x15: {  	s3 =	smul.u32 $0x500, s3;
	s6 =	sadd.s32 s5, s6;
	[dreg:$0x8] =	wrdreg s7  }
0x16: {  	s9 =	sadd.s32 s5, s25;
	s25 =	sadd.s32 $0x25500, s1;
	[dreg:$0x9] =	wrdreg s6  }
0x17: {  	s6 =	sshrl.u32 s10, $0x3;
	s7 =	sadd.s32 s4, s12;
	[dreg:$0x13] =	wrdreg s9  }
0x18: {  	s12 =	sshrl.u32 s8, $0x3;
	s10 =	simm.s32 $0x6;
	[dreg:$0xa] =	wrdreg s7  }
0x19: {  	s6 =	sadd.s32 s5, s6;
	s7 =	sshrl.u32 s16, $0x3;
	s9 =	sadd.s32 s5, s12  }
0x1a: {  	s16 =	smul.u32 $0x4E000, s11;
	s12 =	simm.s32 $0x8;
	[dreg:$0xb] =	wrdreg s6  }
0x1b: {  	s6 =	sadd.s32 s4, s14;
	s18 =	sadd.s32 s5, s7;
	[dreg:$0x14] =	wrdreg s9  }
0x1c: {  	s7 =	sadd.s32 s4, s20;
	s14 =	sshll.u32 s8, $0x4;
	[dreg:$0xc] =	wrdreg s6  }
0x1d: {  	s8 =	simm.s32 $0x5;
	s9 =	simm.s32 $0x3;
	[dreg:$0xf] =	wrdreg s18  }
0x1e: {  	s6 =	sadd.s32 s5, s15;
	[dreg:$0x10] =	wrdreg s7;
	s7 =	sadd.s32 s4, s23  }
0x1f: {  	s18 =	sadd.s32 s4, s14;
	s15 =	smul.u32 $0xA00, s11;
	[dreg:$0xd] =	wrdreg s6  }
0x20: {  	s23 =	simm.s32 $0x50;
	s6 =	sadd.s32 s4, s17;
	[dreg:$0x15] =	wrdreg s7  }
0x21: {  	s23 =	simm.s32 @!p4 $0x4E;
	s17 =	smul.u32 $0x2700, s11;
	s7 =	simm.s32 $0x2  }
0x22: {  	s11 =	simm.s32 $0x4;
	[dreg:$0xe] =	wrdreg s6;
	s6 =	sshrl.u32 s19, $0x3  }
0x23: {  	s6 =	sadd.s32 s5, s6;
	s20 =	sadd.s32 s17, s1;
	s1 =	simm.s32 $0xA100  }
0x24: {  	[dreg:$0x11] =	wrdreg s6;
	s6 =	sadd.s32 s5, s22;
	s5 =	sadd.s32 s26, s5  }
0x25: {  	s22 =	simm.s32 $0x0;
	s26 =	sadd.s32 $0xC00, s20;
	s20 =	simm.s32 $0x50  }
0x26: {  	[dreg:$0x12] =	wrdreg s6;
	s6 =	sshll.u32 s24, $0x4;
	s19 =	sadd.s32 s13, s5  }
0x27: {  	[smem:$0x7FF] =	sst s22;
	s5 =	sadd.s32 s0, s17;
	s6 =	sadd.s32 s4, s6  }
0x28: {  	s0 =	sadd.s32 $0x24900, s0;
	s13 =	simm.s32 $0x0;
	[dreg:$0x16] =	wrdreg s6  }
0x29: {  	s4 =	sadd.s32 s15, s4;
	_ =	strace $0x80000047;
	[dreg:$0x17] =	wrdreg s5  }
.Ltmp0:
0x2a: {  	s3 =	sadd.s32 s3, s4;
	[dreg:$0x18] =	wrdreg s0;
	(pc) =	sbr.rel .LBB2_1-.Ltmp0, $4  }
0x2b: {  	s4 =	sshrl.u32 s16, $0x2;
	s6 =	simm.s32 $0xA180;
	[dreg:$0x19] =	wrdreg s25  }
0x2c: {  	s24 =	sadd.s32 s4, s21;
	[dreg:$0x1a] =	wrdreg s26;
	s31 =	sadd.s32 $0x46000, s3  }
0x2d: {  	s26 =	sadd.s32 $0x124800, s21;
	s25 =	simm.s32 $0xA000;
	s0 =	simm.s32 $0x2800  }
0x2e: {  	v0 =	vimm.f32 $0.0e+00;
	s3 =	simm.s32 $0x7;
	s4 =	simm.s32 $0x1;
	s5 =	simm.s32 $0x7800  }
.LBB2_11:
0x2f: {  	s14 =	sshrl.u32 s26, $0x3;
	s15 =	rddreg [dreg:$0x18];
	s16 =	simm.s32 $0x1FC8  }
0x30: {  	[hbm:s15], [sflag:s16] =	dma.local [spmem:s14], $0x2800  }
0x31: {  	_ =	swait.ge [sflag:s12], $0x2800  }
0x32: {  	[sflag:s12] =	ssyncset.done $0x0  }
0x33: {  	[sflag:s12] =	ssyncadd.s32 $0xFFFFD800  }
.LBB2_12:
0x34: {  	s13 =	sadd.s32 $0x1, s13  }
0x35: {  	p4 =	sne.s32 s13, s30  }
.Ltmp1:
0x36: {  	_ = 	snop;
	(pc) =	sbr.rel @!p4 .LBB2_13-.Ltmp1, $1  }
0x37: {  	_ =	sdelay $0x3  }
.LBB2_1:
0x38: {  	s14 =	rddreg [dreg:$0x6]  }
0x39: {  	[tilespmem:s22], [sflag:$0x1] =	stream.linear.gather [hbm4b:s14+s22], $0x2800, $0x38;
	[tilespmem:$0x1DE80] =	vst v63  }
0x3a: {  	s16 =	rddreg [dreg:$0x7]  }
0x3b: {  	[tilespmem:s25], [sflag:$0x1] =	stream.linear.gather [hbm4b:s16+s22], $0x50, $0x38;
	[tilespmem:$0x1DE80] =	vst v63  }
0x3c: {  	s17 =	rddreg [dreg:$0x8]  }
0x3d: {  	[tilespmem:s0], [sflag:$0x2] =	stream.linear.gather [hbm4b:s17+s22], $0x2800, $0x38;
	[tilespmem:$0x1DE80] =	vst v63  }
0x3e: {  	s15 =	rddreg [dreg:$0x9]  }
0x3f: {  	[tilespmem:s28], [sflag:$0x2] =	stream.linear.gather [hbm4b:s15+s22], $0x50, $0x38;
	[tilespmem:$0x1DE80] =	vst v63  }
0x40: {  	s16 =	rddreg [dreg:$0xa]  }
0x41: {  	[tilespmem:s29], [sflag:$0x3] =	stream.linear.gather [hbm4b:s16+s22], $0x2800, $0x38;
	[tilespmem:$0x1DE80] =	vst v63  }
0x42: {  	s17 =	rddreg [dreg:$0xb]  }
0x43: {  	[tilespmem:s1], [sflag:$0x3] =	stream.linear.gather [hbm4b:s17+s22], $0x50, $0x38;
	[tilespmem:$0x1DE80] =	vst v63  }
0x44: {  	[tilespmem:$0xA200] =	vst v0  }
0x45: {  	[tilespmem:$0xA210] =	vst v0  }
0x46: {  	[tilespmem:$0xA220] =	vst v0  }
0x47: {  	[tilespmem:$0xA230] =	vst v0  }
0x48: {  	[tilespmem:$0xA240] =	vst v0  }
0x49: {  	[tilespmem:$0xA250] =	vst v0  }
0x4a: {  	[tilespmem:$0xA260] =	vst v0  }
0x4b: {  	[tilespmem:$0xA270] =	vst v0  }
0x4c: {  	[tilespmem:$0xA280] =	vst v0  }
0x4d: {  	[tilespmem:$0xA290] =	vst v0  }
0x4e: {  	[tilespmem:$0xA2A0] =	vst v0  }
0x4f: {  	[tilespmem:$0xA2B0] =	vst v0  }
0x50: {  	[tilespmem:$0xA2C0] =	vst v0  }
0x51: {  	[tilespmem:$0xA2D0] =	vst v0  }
0x52: {  	[tilespmem:$0xA2E0] =	vst v0  }
0x53: {  	[tilespmem:$0xA2F0] =	vst v0  }
0x54: {  	[tilespmem:$0xA300] =	vst v0  }
0x55: {  	[tilespmem:$0xA310] =	vst v0  }
0x56: {  	[tilespmem:$0xA320] =	vst v0  }
0x57: {  	[tilespmem:$0xA330] =	vst v0  }
0x58: {  	[tilespmem:$0xA340] =	vst v0  }
0x59: {  	[tilespmem:$0xA350] =	vst v0  }
0x5a: {  	[tilespmem:$0xA360] =	vst v0  }
0x5b: {  	[tilespmem:$0xA370] =	vst v0  }
0x5c: {  	[tilespmem:$0xA380] =	vst v0  }
0x5d: {  	[tilespmem:$0xA390] =	vst v0  }
0x5e: {  	[tilespmem:$0xA3A0] =	vst v0  }
0x5f: {  	[tilespmem:$0xA3B0] =	vst v0  }
0x60: {  	[tilespmem:$0xA3C0] =	vst v0  }
0x61: {  	[tilespmem:$0xA3D0] =	vst v0  }
0x62: {  	[tilespmem:$0xA3E0] =	vst v0  }
0x63: {  	[tilespmem:$0xA3F0] =	vst v0  }
0x64: {  	[tilespmem:$0xA400] =	vst v0  }
0x65: {  	[tilespmem:$0xA410] =	vst v0  }
0x66: {  	[tilespmem:$0xA420] =	vst v0  }
0x67: {  	[tilespmem:$0xA430] =	vst v0  }
0x68: {  	[tilespmem:$0xA440] =	vst v0  }
0x69: {  	[tilespmem:$0xA450] =	vst v0  }
0x6a: {  	[tilespmem:$0xA460] =	vst v0  }
0x6b: {  	[tilespmem:$0xA470] =	vst v0  }
0x6c: {  	[tilespmem:$0xA480] =	vst v0  }
0x6d: {  	[tilespmem:$0xA490] =	vst v0  }
0x6e: {  	[tilespmem:$0xA4A0] =	vst v0  }
0x6f: {  	[tilespmem:$0xA4B0] =	vst v0  }
0x70: {  	[tilespmem:$0xA4C0] =	vst v0  }
0x71: {  	[tilespmem:$0xA4D0] =	vst v0  }
0x72: {  	[tilespmem:$0xA4E0] =	vst v0  }
0x73: {  	[tilespmem:$0xA4F0] =	vst v0  }
0x74: {  	[tilespmem:$0xA500] =	vst v0  }
0x75: {  	[tilespmem:$0xA510] =	vst v0  }
0x76: {  	[tilespmem:$0xA520] =	vst v0  }
0x77: {  	[tilespmem:$0xA530] =	vst v0  }
0x78: {  	[tilespmem:$0xA540] =	vst v0  }
0x79: {  	[tilespmem:$0xA550] =	vst v0  }
0x7a: {  	[tilespmem:$0xA560] =	vst v0  }
0x7b: {  	[tilespmem:$0xA570] =	vst v0  }
0x7c: {  	[tilespmem:$0xA580] =	vst v0  }
0x7d: {  	[tilespmem:$0xA590] =	vst v0  }
0x7e: {  	[tilespmem:$0xA5A0] =	vst v0  }
0x7f: {  	p4 =	sne.s32 s23, $0x1;
	[tilespmem:$0xA5B0] =	vst v0  }
.Ltmp2:
0x80: {  	[tilespmem:$0xA5C0] =	vst v0;
	(pc) =	sbr.rel @!p4 .LBB2_3-.Ltmp2, $4  }
0x81: {  	[tilespmem:$0xA5D0] =	vst v0  }
0x82: {  	[tilespmem:$0xA5E0] =	vst v0  }
0x83: {  	s14 =	sadd.s32 $0xFFFFFFFF, s23;
	s15 =	smov.u32 s24;
	[tilespmem:$0xA5F0] =	vst v0  }
0x84: {  	[spmem:s24] =	stream.linear.scatter [tilespmem:s2], [sflag:$0x7], $0x400, $0x38;
	[tilespmem:$0x1DE80] =	vst v63  }
.LBB2_2:
0x85: {  	p5 =	sne.s32 s14, $0x1  }
.Ltmp3:
0x86: {  	_ = 	snop;
	(pc) =	sbr.rel @p5 .LBB2_2-.Ltmp3, $3  }
0x87: {  	_ = 	snop  }
0x88: {  	s14 =	sadd.s32 $0xFFFFFFFF, s14;
	s15 =	sadd.s32 $0x400, s15;
	_ =	sdelay $0x1  }
0x89: {  	[spmem:s15] =	stream.linear.scatter [tilespmem:s2], [sflag:$0x7], $0x400, $0x38;
	[tilespmem:$0x1DE80] =	vst v63  }
.LBB2_3:
.Ltmp4:
0x8a: {  	(pc) =	sbr.rel @!p4 .LBB2_5-.Ltmp4, $3  }
0x8b: {  	_ =	sdelay $0x1  }
0x8c: {  	_ =	swait.ge [sflag:s3], $0x400  }
0x8d: {  	s14 =	sadd.s32 $0xFFFFFFFF, s23;
	[sflag:s3] =	ssyncset.done $0x0  }
.LBB2_4:
0x8e: {  	p4 =	sne.s32 s14, $0x1;
	s14 =	sadd.s32 $0xFFFFFFFF, s14;
	[sflag:s3] =	ssyncadd.s32 $0xFFFFFC00  }
.Ltmp5:
0x8f: {  	(pc) =	sbr.rel @p4 .LBB2_4-.Ltmp5, $3  }
0x90: {  	_ =	sdelay $0x1  }
0x91: {  	_ =	swait.ge [sflag:s3], $0x400  }
0x92: {  	[sflag:s3] =	ssyncset.done $0x0  }
.LBB2_5:
0x93: {  	[sflag:s3] =	ssyncadd.s32 $0xFFFFFC00  }
0x94: {  	[bflag:$0x0] =	sbarrier.arrive $0xFFFF  }
0x95: {  	_ =	swait.ge [sflag:s4], $0x2800  }
0x96: {  	[sflag:s4] =	ssyncset.done $0x0  }
0x97: {  	[sflag:s4] =	ssyncadd.s32 $0xFFFFD800  }
0x98: {  	_ =	swait.ge [sflag:s4], $0x50  }
0x99: {  	[sflag:s4] =	ssyncset.done $0x0  }
0x9a: {  	s14 =	simm.s32 $0x0;
	[sflag:s4] =	ssyncadd.s32 $0xFFFFFFB0  }
0x9b: {  	[spmem:s21] =	stream.indirect.scatter.add.f32 [tilespmem:s14], [sflag:$0x5], $0x80, s25, s20, $0xb8;
	[tilespmem:$0x1DE80] =	vst v63  }
0x9c: {  	s15 =	rddreg [dreg:$0xc]  }
0x9d: {  	[tilespmem:s5], [sflag:$0x4] =	stream.linear.gather [hbm4b:s15+s14], $0x2800, $0x38;
	[tilespmem:$0x1DE80] =	vst v63  }
0x9e: {  	s17 =	rddreg [dreg:$0xd]  }
0x9f: {  	[tilespmem:s6], [sflag:$0x4] =	stream.linear.gather [hbm4b:s17+s14], $0x50, $0x38;
	[tilespmem:$0x1DE80] =	vst v63  }
0xa0: {  	_ =	swait.ge [sflag:s7], $0x2800  }
0xa1: {  	[sflag:s7] =	ssyncset.done $0x0  }
0xa2: {  	[sflag:s7] =	ssyncadd.s32 $0xFFFFD800  }
0xa3: {  	_ =	swait.ge [sflag:s7], $0x50  }
0xa4: {  	[sflag:s7] =	ssyncset.done $0x0  }
0xa5: {  	[sflag:s7] =	ssyncadd.s32 $0xFFFFFFB0  }
0xa6: {  	_ =	swait.ge [sflag:s8], $0x2800  }
0xa7: {  	[sflag:s8] =	ssyncset.done $0x0  }
0xa8: {  	[sflag:s8] =	ssyncadd.s32 $0xFFFFD800  }
0xa9: {  	[spmem:s21] =	stream.indirect.scatter.add.f32 [tilespmem:s0], [sflag:$0x6], $0x80, s28, s20, $0xb8;
	[tilespmem:$0x1DE80] =	vst v63  }
0xaa: {  	s16 =	rddreg [dreg:$0xe]  }
0xab: {  	[tilespmem:s14], [sflag:$0x1] =	stream.linear.gather [hbm4b:s16+s14], $0x2800, $0x38;
	[tilespmem:$0x1DE80] =	vst v63  }
0xac: {  	s17 =	rddreg [dreg:$0xf]  }
0xad: {  	[tilespmem:s25], [sflag:$0x1] =	stream.linear.gather [hbm4b:s17+s14], $0x50, $0x38;
	[tilespmem:$0x1DE80] =	vst v63  }
0xae: {  	_ =	swait.ge [sflag:s9], $0x2800  }
0xaf: {  	[sflag:s9] =	ssyncset.done $0x0  }
0xb0: {  	[sflag:s9] =	ssyncadd.s32 $0xFFFFD800  }
0xb1: {  	_ =	swait.ge [sflag:s9], $0x50  }
0xb2: {  	[sflag:s9] =	ssyncset.done $0x0  }
0xb3: {  	[sflag:s9] =	ssyncadd.s32 $0xFFFFFFB0  }
0xb4: {  	_ =	swait.ge [sflag:s10], $0x2800  }
0xb5: {  	[sflag:s10] =	ssyncset.done $0x0  }
0xb6: {  	[sflag:s10] =	ssyncadd.s32 $0xFFFFD800  }
0xb7: {  	[spmem:s21] =	stream.indirect.scatter.add.f32 [tilespmem:s29], [sflag:$0x5], $0x80, s1, s20, $0xb8;
	[tilespmem:$0x1DE80] =	vst v63  }
0xb8: {  	s16 =	rddreg [dreg:$0x10]  }
0xb9: {  	[tilespmem:s0], [sflag:$0x2] =	stream.linear.gather [hbm4b:s16+s14], $0x2800, $0x38;
	[tilespmem:$0x1DE80] =	vst v63  }
0xba: {  	s17 =	rddreg [dreg:$0x11]  }
0xbb: {  	[tilespmem:s28], [sflag:$0x2] =	stream.linear.gather [hbm4b:s17+s14], $0x50, $0x38;
	[tilespmem:$0x1DE80] =	vst v63  }
0xbc: {  	_ =	swait.ge [sflag:s11], $0x2800  }
0xbd: {  	[sflag:s11] =	ssyncset.done $0x0  }
0xbe: {  	[sflag:s11] =	ssyncadd.s32 $0xFFFFD800  }
0xbf: {  	_ =	swait.ge [sflag:s11], $0x50  }
0xc0: {  	[sflag:s11] =	ssyncset.done $0x0  }
0xc1: {  	[sflag:s11] =	ssyncadd.s32 $0xFFFFFFB0  }
0xc2: {  	_ =	swait.ge [sflag:s8], $0x2800  }
0xc3: {  	[sflag:s8] =	ssyncset.done $0x0  }
0xc4: {  	[sflag:s8] =	ssyncadd.s32 $0xFFFFD800  }
0xc5: {  	[spmem:s21] =	stream.indirect.scatter.add.f32 [tilespmem:s5], [sflag:$0x6], $0x80, s6, s20, $0xb8;
	[tilespmem:$0x1DE80] =	vst v63  }
0xc6: {  	s16 =	rddreg [dreg:$0x15]  }
0xc7: {  	[tilespmem:s29], [sflag:$0x3] =	stream.linear.gather [hbm4b:s16+s14], $0x2800, $0x38;
	[tilespmem:$0x1DE80] =	vst v63  }
0xc8: {  	s17 =	rddreg [dreg:$0x12]  }
0xc9: {  	[tilespmem:s1], [sflag:$0x3] =	stream.linear.gather [hbm4b:s17+s14], $0x50, $0x38;
	[tilespmem:$0x1DE80] =	vst v63  }
0xca: {  	_ =	swait.ge [sflag:s4], $0x2800  }
0xcb: {  	[sflag:s4] =	ssyncset.done $0x0  }
0xcc: {  	[sflag:s4] =	ssyncadd.s32 $0xFFFFD800  }
0xcd: {  	_ =	swait.ge [sflag:s4], $0x50  }
0xce: {  	[sflag:s4] =	ssyncset.done $0x0  }
0xcf: {  	[sflag:s4] =	ssyncadd.s32 $0xFFFFFFB0  }
0xd0: {  	_ =	swait.ge [sflag:s10], $0x2800  }
0xd1: {  	[sflag:s10] =	ssyncset.done $0x0  }
0xd2: {  	[sflag:s10] =	ssyncadd.s32 $0xFFFFD800  }
0xd3: {  	[spmem:s21] =	stream.indirect.scatter.add.f32 [tilespmem:s22], [sflag:$0x5], $0x80, s25, s20, $0xb8;
	[tilespmem:$0x1DE80] =	vst v63  }
0xd4: {  	s15 =	sadd.s32 $0x0, s19  }
0xd5: {  	[tilespmem:s5], [sflag:$0x4] =	stream.linear.gather [hbm4b:s31+s22], $0x2800, $0x38;
	[tilespmem:$0x1DE80] =	vst v63  }
0xd6: {  	s16 =	sadd.s32 $0x8C0, s15  }
0xd7: {  	[tilespmem:s6], [sflag:$0x4] =	stream.linear.gather [hbm4b:s16+s22], $0x50, $0x38;
	[tilespmem:$0x1DE80] =	vst v63  }
0xd8: {  	_ =	swait.ge [sflag:s7], $0x2800  }
0xd9: {  	[sflag:s7] =	ssyncset.done $0x0  }
0xda: {  	[sflag:s7] =	ssyncadd.s32 $0xFFFFD800  }
0xdb: {  	_ =	swait.ge [sflag:s7], $0x50  }
0xdc: {  	[sflag:s7] =	ssyncset.done $0x0  }
0xdd: {  	[sflag:s7] =	ssyncadd.s32 $0xFFFFFFB0  }
0xde: {  	_ =	swait.ge [sflag:s8], $0x2800  }
0xdf: {  	[sflag:s8] =	ssyncset.done $0x0  }
0xe0: {  	[sflag:s8] =	ssyncadd.s32 $0xFFFFD800  }
0xe1: {  	[spmem:s21] =	stream.indirect.scatter.add.f32 [tilespmem:s0], [sflag:$0x6], $0x80, s28, s20, $0xb8;
	[tilespmem:$0x1DE80] =	vst v63  }
0xe2: {  	s17 =	sadd.s32 $0xA000, s31  }
0xe3: {  	[tilespmem:s22], [sflag:$0x1] =	stream.linear.gather [hbm4b:s17+s22], $0x2800, $0x38;
	[tilespmem:$0x1DE80] =	vst v63  }
0xe4: {  	s16 =	sadd.s32 $0xA00, s15  }
0xe5: {  	[tilespmem:s25], [sflag:$0x1] =	stream.linear.gather [hbm4b:s16+s22], $0x50, $0x38;
	[tilespmem:$0x1DE80] =	vst v63  }
0xe6: {  	_ =	swait.ge [sflag:s9], $0x2800  }
0xe7: {  	[sflag:s9] =	ssyncset.done $0x0  }
0xe8: {  	[sflag:s9] =	ssyncadd.s32 $0xFFFFD800  }
0xe9: {  	_ =	swait.ge [sflag:s9], $0x50  }
0xea: {  	[sflag:s9] =	ssyncset.done $0x0  }
0xeb: {  	[sflag:s9] =	ssyncadd.s32 $0xFFFFFFB0  }
0xec: {  	_ =	swait.ge [sflag:s10], $0x2800  }
0xed: {  	[sflag:s10] =	ssyncset.done $0x0  }
0xee: {  	[sflag:s10] =	ssyncadd.s32 $0xFFFFD800  }
0xef: {  	[spmem:s21] =	stream.indirect.scatter.add.f32 [tilespmem:s29], [sflag:$0x5], $0x80, s1, s20, $0xb8;
	[tilespmem:$0x1DE80] =	vst v63  }
0xf0: {  	s17 =	sadd.s32 $0x14000, s31  }
0xf1: {  	[tilespmem:s0], [sflag:$0x2] =	stream.linear.gather [hbm4b:s17+s22], $0x2800, $0x38;
	[tilespmem:$0x1DE80] =	vst v63  }
0xf2: {  	s16 =	sadd.s32 $0xB40, s15  }
0xf3: {  	[tilespmem:s28], [sflag:$0x2] =	stream.linear.gather [hbm4b:s16+s22], $0x50, $0x38;
	[tilespmem:$0x1DE80] =	vst v63  }
0xf4: {  	_ =	swait.ge [sflag:s11], $0x2800  }
0xf5: {  	[sflag:s11] =	ssyncset.done $0x0  }
0xf6: {  	[sflag:s11] =	ssyncadd.s32 $0xFFFFD800  }
0xf7: {  	_ =	swait.ge [sflag:s11], $0x50  }
0xf8: {  	[sflag:s11] =	ssyncset.done $0x0  }
0xf9: {  	[sflag:s11] =	ssyncadd.s32 $0xFFFFFFB0  }
0xfa: {  	_ =	swait.ge [sflag:s8], $0x2800  }
0xfb: {  	[sflag:s8] =	ssyncset.done $0x0  }
0xfc: {  	s14 =	simm.s32 $0x500;
	[sflag:s8] =	ssyncadd.s32 $0xFFFFD800  }
0xfd: {  	[spmem:s21] =	stream.indirect.scatter.add.f32 [tilespmem:s5], [sflag:$0x6], $0x80, s6, s20, $0xb8;
	[tilespmem:$0x1DE80] =	vst v63  }
0xfe: {  	s17 =	sadd.s32 $0x1E000, s31;
	s16 =	sadd.s32 $0xC80, s15;
	s15 =	sadd.s32 $0x28000, s31  }
0xff: {  	[tilespmem:s29], [sflag:$0x3] =	stream.linear.gather [hbm4b:s17+s22], $0x2800, $0x38;
	[tilespmem:$0x1DE80] =	vst v63  }
.LBB2_6:
0x100: {  	[tilespmem:s1], [sflag:$0x3] =	stream.linear.gather [hbm4b:s16+s22], $0x50, $0x38;
	[tilespmem:$0x1DE80] =	vst v63  }
0x101: {  	s16 =	smov.u32 s14  }
0x102: {  	p4 =	sne.s32 s14, $0x8C00;
	s14 =	sadd.s32 $0x500, s14;
	_ =	swait.ge [sflag:s4], $0x2800  }
0x103: {  	[sflag:s4] =	ssyncset.done $0x0  }
0x104: {  	[sflag:s4] =	ssyncadd.s32 $0xFFFFD800  }
0x105: {  	_ =	swait.ge [sflag:s4], $0x50  }
0x106: {  	[sflag:s4] =	ssyncset.done $0x0  }
0x107: {  	[sflag:s4] =	ssyncadd.s32 $0xFFFFFFB0  }
0x108: {  	_ =	swait.ge [sflag:s10], $0x2800  }
0x109: {  	[sflag:s10] =	ssyncset.done $0x0  }
0x10a: {  	[sflag:s10] =	ssyncadd.s32 $0xFFFFD800  }
0x10b: {  	[spmem:s21] =	stream.indirect.scatter.add.f32 [tilespmem:s22], [sflag:$0x5], $0x80, s25, s20, $0xb8;
	[tilespmem:$0x1DE80] =	vst v63  }
0x10c: {  	s16 =	sadd.s32 s16, s19  }
0x10d: {  	[tilespmem:s5], [sflag:$0x4] =	stream.linear.gather [hbm4b:s15+s22], $0x2800, $0x38;
	[tilespmem:$0x1DE80] =	vst v63  }
0x10e: {  	s17 =	sadd.s32 $0x8C0, s16  }
0x10f: {  	[tilespmem:s6], [sflag:$0x4] =	stream.linear.gather [hbm4b:s17+s22], $0x50, $0x38;
	[tilespmem:$0x1DE80] =	vst v63  }
0x110: {  	_ =	swait.ge [sflag:s7], $0x2800  }
0x111: {  	[sflag:s7] =	ssyncset.done $0x0  }
0x112: {  	[sflag:s7] =	ssyncadd.s32 $0xFFFFD800  }
0x113: {  	_ =	swait.ge [sflag:s7], $0x50  }
0x114: {  	[sflag:s7] =	ssyncset.done $0x0  }
0x115: {  	[sflag:s7] =	ssyncadd.s32 $0xFFFFFFB0  }
0x116: {  	_ =	swait.ge [sflag:s8], $0x2800  }
0x117: {  	[sflag:s8] =	ssyncset.done $0x0  }
0x118: {  	[sflag:s8] =	ssyncadd.s32 $0xFFFFD800  }
0x119: {  	[spmem:s21] =	stream.indirect.scatter.add.f32 [tilespmem:s0], [sflag:$0x6], $0x80, s28, s20, $0xb8;
	[tilespmem:$0x1DE80] =	vst v63  }
0x11a: {  	s17 =	sadd.s32 $0xA000, s15  }
0x11b: {  	[tilespmem:s22], [sflag:$0x1] =	stream.linear.gather [hbm4b:s17+s22], $0x2800, $0x38;
	[tilespmem:$0x1DE80] =	vst v63  }
0x11c: {  	s17 =	sadd.s32 $0xA00, s16  }
0x11d: {  	[tilespmem:s25], [sflag:$0x1] =	stream.linear.gather [hbm4b:s17+s22], $0x50, $0x38;
	[tilespmem:$0x1DE80] =	vst v63  }
0x11e: {  	_ =	swait.ge [sflag:s9], $0x2800  }
0x11f: {  	[sflag:s9] =	ssyncset.done $0x0  }
0x120: {  	[sflag:s9] =	ssyncadd.s32 $0xFFFFD800  }
0x121: {  	_ =	swait.ge [sflag:s9], $0x50  }
0x122: {  	[sflag:s9] =	ssyncset.done $0x0  }
0x123: {  	[sflag:s9] =	ssyncadd.s32 $0xFFFFFFB0  }
0x124: {  	_ =	swait.ge [sflag:s10], $0x2800  }
0x125: {  	[sflag:s10] =	ssyncset.done $0x0  }
0x126: {  	[sflag:s10] =	ssyncadd.s32 $0xFFFFD800  }
0x127: {  	[spmem:s21] =	stream.indirect.scatter.add.f32 [tilespmem:s29], [sflag:$0x5], $0x80, s1, s20, $0xb8;
	[tilespmem:$0x1DE80] =	vst v63  }
0x128: {  	s17 =	sadd.s32 $0x14000, s15  }
0x129: {  	[tilespmem:s0], [sflag:$0x2] =	stream.linear.gather [hbm4b:s17+s22], $0x2800, $0x38;
	[tilespmem:$0x1DE80] =	vst v63  }
0x12a: {  	s17 =	sadd.s32 $0xB40, s16  }
0x12b: {  	[tilespmem:s28], [sflag:$0x2] =	stream.linear.gather [hbm4b:s17+s22], $0x50, $0x38;
	[tilespmem:$0x1DE80] =	vst v63  }
0x12c: {  	_ =	swait.ge [sflag:s11], $0x2800  }
0x12d: {  	[sflag:s11] =	ssyncset.done $0x0  }
0x12e: {  	[sflag:s11] =	ssyncadd.s32 $0xFFFFD800  }
0x12f: {  	_ =	swait.ge [sflag:s11], $0x50  }
0x130: {  	[sflag:s11] =	ssyncset.done $0x0  }
0x131: {  	[sflag:s11] =	ssyncadd.s32 $0xFFFFFFB0  }
0x132: {  	_ =	swait.ge [sflag:s8], $0x2800  }
0x133: {  	[sflag:s8] =	ssyncset.done $0x0  }
.Ltmp6:
0x134: {  	[sflag:s8] =	ssyncadd.s32 $0xFFFFD800;
	(pc) =	sbr.rel @p4 .LBB2_6-.Ltmp6, $4  }
0x135: {  	[spmem:s21] =	stream.indirect.scatter.add.f32 [tilespmem:s5], [sflag:$0x6], $0x80, s6, s20, $0xb8;
	[tilespmem:$0x1DE80] =	vst v63  }
0x136: {  	s17 =	sadd.s32 $0x1E000, s15  }
0x137: {  	[tilespmem:s29], [sflag:$0x3] =	stream.linear.gather [hbm4b:s17+s22], $0x2800, $0x38;
	[tilespmem:$0x1DE80] =	vst v63  }
0x138: {  	s16 =	sadd.s32 $0xC80, s16;
	s15 =	sadd.s32 $0x28000, s15  }
0x139: {  	[tilespmem:s1], [sflag:$0x3] =	stream.linear.gather [hbm4b:s16+s22], $0x50, $0x38;
	[tilespmem:$0x1DE80] =	vst v63  }
0x13a: {  	_ =	swait.ge [sflag:s4], $0x2800  }
0x13b: {  	[sflag:s4] =	ssyncset.done $0x0  }
0x13c: {  	[sflag:s4] =	ssyncadd.s32 $0xFFFFD800  }
0x13d: {  	_ =	swait.ge [sflag:s4], $0x50  }
0x13e: {  	[sflag:s4] =	ssyncset.done $0x0  }
0x13f: {  	[sflag:s4] =	ssyncadd.s32 $0xFFFFFFB0  }
0x140: {  	_ =	swait.ge [sflag:s10], $0x2800  }
0x141: {  	[sflag:s10] =	ssyncset.done $0x0  }
0x142: {  	[sflag:s10] =	ssyncadd.s32 $0xFFFFD800  }
0x143: {  	[spmem:s21] =	stream.indirect.scatter.add.f32 [tilespmem:s22], [sflag:$0x5], $0x80, s25, s20, $0xb8;
	[tilespmem:$0x1DE80] =	vst v63  }
0x144: {  	s14 =	rddreg [dreg:$0x16]  }
0x145: {  	[tilespmem:s5], [sflag:$0x4] =	stream.linear.gather [hbm4b:s14+s22], $0x2800, $0x38;
	[tilespmem:$0x1DE80] =	vst v63  }
0x146: {  	s16 =	rddreg [dreg:$0x13]  }
0x147: {  	[tilespmem:s6], [sflag:$0x4] =	stream.linear.gather [hbm4b:s16+s22], $0x50, $0x38;
	[tilespmem:$0x1DE80] =	vst v63  }
0x148: {  	_ =	swait.ge [sflag:s7], $0x2800  }
0x149: {  	[sflag:s7] =	ssyncset.done $0x0  }
0x14a: {  	[sflag:s7] =	ssyncadd.s32 $0xFFFFD800  }
0x14b: {  	_ =	swait.ge [sflag:s7], $0x50  }
0x14c: {  	[sflag:s7] =	ssyncset.done $0x0  }
0x14d: {  	[sflag:s7] =	ssyncadd.s32 $0xFFFFFFB0  }
0x14e: {  	_ =	swait.ge [sflag:s8], $0x2800  }
0x14f: {  	[sflag:s8] =	ssyncset.done $0x0  }
0x150: {  	[sflag:s8] =	ssyncadd.s32 $0xFFFFD800  }
0x151: {  	[spmem:s21] =	stream.indirect.scatter.add.f32 [tilespmem:s0], [sflag:$0x6], $0x80, s28, s20, $0xb8;
	[tilespmem:$0x1DE80] =	vst v63  }
0x152: {  	_ = 	snop  }
0x153: {  	[tilespmem:s22], [sflag:$0x1] =	stream.linear.gather [hbm4b:s18+s22], $0x2800, $0x38;
	[tilespmem:$0x1DE80] =	vst v63  }
0x154: {  	s17 =	rddreg [dreg:$0x14]  }
0x155: {  	[tilespmem:s25], [sflag:$0x1] =	stream.linear.gather [hbm4b:s17+s22], $0x50, $0x38;
	[tilespmem:$0x1DE80] =	vst v63  }
0x156: {  	_ =	swait.ge [sflag:s9], $0x2800  }
0x157: {  	[sflag:s9] =	ssyncset.done $0x0  }
0x158: {  	[sflag:s9] =	ssyncadd.s32 $0xFFFFD800  }
0x159: {  	_ =	swait.ge [sflag:s9], $0x50  }
0x15a: {  	[sflag:s9] =	ssyncset.done $0x0  }
0x15b: {  	[sflag:s9] =	ssyncadd.s32 $0xFFFFFFB0  }
0x15c: {  	_ =	swait.ge [sflag:s10], $0x2800  }
0x15d: {  	[sflag:s10] =	ssyncset.done $0x0  }
0x15e: {  	[sflag:s10] =	ssyncadd.s32 $0xFFFFD800  }
0x15f: {  	[spmem:s21] =	stream.indirect.scatter.add.f32 [tilespmem:s29], [sflag:$0x5], $0x80, s1, s20, $0xb8;
	[tilespmem:$0x1DE80] =	vst v63  }
0x160: {  	_ =	swait.ge [sflag:s11], $0x2800  }
0x161: {  	[sflag:s11] =	ssyncset.done $0x0  }
0x162: {  	[sflag:s11] =	ssyncadd.s32 $0xFFFFD800  }
0x163: {  	_ =	swait.ge [sflag:s11], $0x50  }
0x164: {  	[sflag:s11] =	ssyncset.done $0x0  }
0x165: {  	[sflag:s11] =	ssyncadd.s32 $0xFFFFFFB0  }
0x166: {  	_ =	swait.ge [sflag:s8], $0x2800  }
0x167: {  	[sflag:s8] =	ssyncset.done $0x0  }
0x168: {  	[sflag:s8] =	ssyncadd.s32 $0xFFFFD800  }
0x169: {  	[spmem:s21] =	stream.indirect.scatter.add.f32 [tilespmem:s5], [sflag:$0x6], $0x80, s6, s20, $0xb8;
	[tilespmem:$0x1DE80] =	vst v63  }
0x16a: {  	_ =	swait.ge [sflag:s4], $0x2800  }
0x16b: {  	[sflag:s4] =	ssyncset.done $0x0  }
0x16c: {  	[sflag:s4] =	ssyncadd.s32 $0xFFFFD800  }
0x16d: {  	_ =	swait.ge [sflag:s4], $0x50  }
0x16e: {  	[sflag:s4] =	ssyncset.done $0x0  }
0x16f: {  	[sflag:s4] =	ssyncadd.s32 $0xFFFFFFB0  }
0x170: {  	_ =	swait.ge [sflag:s10], $0x2800  }
0x171: {  	[sflag:s10] =	ssyncset.done $0x0  }
0x172: {  	[sflag:s10] =	ssyncadd.s32 $0xFFFFD800  }
0x173: {  	[spmem:s21] =	stream.indirect.scatter.add.f32 [tilespmem:s22], [sflag:$0x5], $0x80, s25, s20, $0xb8;
	[tilespmem:$0x1DE80] =	vst v63  }
.Ltmp7:
0x174: {  	_ =	swait.ge [sflag:s8], $0x2800;
	(pc) =	sbr.rel @!p0 .LBB2_10-.Ltmp7, $3  }
0x175: {  	[sflag:s8] =	ssyncset.done $0x0  }
0x176: {  	[sflag:s8] =	ssyncadd.s32 $0xFFFFD800  }
0x177: {  	[bflag:$0x0] =	sbarrier.arrive $0xFFFF;
	_ =	sdelay $0x1  }
0x178: {  	s14 =	stileid.u32  }
0x179: {  	s15 =	sshrl.u32 s24, $0x3;
	s14 =	sshll.u32 s14, $0x6  }
.Ltmp8:
0x17a: {  	s16 =	rddreg [dreg:$0x17];
	s14 =	sor.u32 $0x1C08, s14;
	(pc) =	sbr.rel .LBB2_9-.Ltmp8, $4  }
0x17b: {  	[hbm:s16], [sflag:s14] =	dma.local [spmem:s15], $0x2700  }
0x17c: {  	_ =	swait.ge [sflag:s12], $0x2700  }
0x17d: {  	[sflag:s12] =	ssyncset.done $0x0  }
0x17e: {  	[sflag:s12] =	ssyncadd.s32 $0xFFFFD900  }
.LBB2_10:
.Ltmp9:
0x17f: {  	(pc) =	sbr.rel @p1 .LBB2_11-.Ltmp9, $1  }
0x180: {  	_ =	sdelay $0x3  }
.LBB2_9:
0x181: {  	s14 =	sshrl.u32 @!p3 s26, $0x3;
	s15 =	simm.s32 @!p3 $0x1FC8;
	s16 =	rddreg [dreg:$0x19]  }
0x182: {  	[hbm:s16], [sflag:s15] =	dma.local @!p3 [spmem:s14], $0x2800  }
0x183: {  	s14 =	simm.s32 @!p3 $0x8  }
0x184: {  	s15 =	stileid.u32;
	_ =	swait.ge @!p3 [sflag:s14], $0x2800  }
0x185: {  	s15 =	sshll.u32 @p2 s15, $0x6;
	[sflag:s14] =	ssyncset.done @!p3 $0x0;
	s16 =	rddreg [dreg:$0x1a]  }
0x186: {  	[sflag:s14] =	ssyncadd.s32 @!p3 $0xFFFFD800;
	s14 =	sor.u32 @p2 $0x1C08, s15;
	s15 =	sshrl.u32 @p2 s24, $0x3  }
0x187: {  	[hbm:s16], [sflag:s14] =	dma.local @p2 [spmem:s15], $0x2700  }
.Ltmp10:
0x188: {  	_ = 	snop;
	(pc) =	sbr.rel .LBB2_12-.Ltmp10, $4  }
0x189: {  	s14 =	simm.s32 @p2 $0x8  }
0x18a: {  	_ =	swait.ge @p2 [sflag:s14], $0x2700  }
0x18b: {  	[sflag:s14] =	ssyncset.done @p2 $0x0  }
0x18c: {  	[sflag:s14] =	ssyncadd.s32 @p2 $0xFFFFD900  }
.LBB2_13:
0x18d: {  	_ =	sfence.sel $0x180000  }
0x18e: {  	[bflag:$0x0] =	sbarrier.arrive $0xFFFF  }
0x18f: {  	_ =	strace $0x90000047  }
0x190: {  	s0 =	stileid.u32;
	[bflag:$0x2] =	sbarrier.arrive $0xFFFF  }
0x191: {  	p0 =	sne.s32 s0, $0x0;
	s0 =	rddreg [dreg:$0x5]  }
0x192: {  	s0 =	sadd.s32 @!p0 $0x100000, s0  }
0x193: {  	[sflag:s0] =	ssyncadd.tile.s32 @!p0 $0x1;
	_ =	shalt  }
.Lfunc_end2:
_tile_overlayer_lowered:
.L_overlay_start_2:
0x194: {  	(tag) =	ssettag $0x2  }
0x195: {  	s0 =	rddreg [dreg:$0x0];
	s2 =	stileid.u32  }
0x196: {  	s1 =	rddreg [dreg:$0x1];
	p0 =	sne.s32 s2, $0x0  }
0x197: {  	s3 =	rddreg [dreg:$0x2];
	[bflag:$0x3] =	sbarrier.arrive $0xFFFF;
	s2 =	simm.s32 @!p0 $0x1C08  }
0x198: {  	[timem:s3], [sflag:s2] =	dma.local @!p0 [hbm:s0], s1  }
0x199: {  	s0 =	simm.s32 @!p0 $0x8  }
0x19a: {  	_ =	swait.ge @!p0 [sflag:s0], s1  }
0x19b: {  	s1 =	ssub.s32 @!p0 $0x0, s1;
	[sflag:s0] =	ssyncset.done @!p0 $0x0  }
0x19c: {  	[sflag:s0] =	ssyncadd.s32 @!p0 s1  }
0x19d: {  	[bflag:$0x3] =	sbarrier.arrive $0xFFFF  }
0x19e: {  	_ =	shalt  }

</sc_bundles>
